<compile_context>
chip_gen: v7x
topology: tpu7x:2x2x1
jax: 0.10.2.dev20260603
libtpu: 0.0.44.dev20260713+nightly
codegen_flags: <defaults>
</compile_context>

<pallas_src>
import functools

import jax
import jax.numpy as jnp
from jax import lax
from jax.experimental import pallas as pl
from jax.experimental.pallas import tpu as pltpu
from jax.experimental.pallas import tpu_sc as plsc

DP = 128
NBUF = 5
K = 2


def kernel(x, table):
    B, S = x.shape
    V, D = table.shape
    N = B * S

    info = plsc.get_sparse_core_info()
    NC, NS = info.num_cores, info.num_subcores
    NW = NC * NS
    CHUNK = 128
    per_w = N // NW
    n_chunks = per_w // CHUNK
    assert n_chunks % NBUF == 0 and K < NBUF

    table_p = jnp.pad(table, ((0, 0), (0, DP - D)))
    idx = x.reshape(NW, n_chunks, CHUNK)
    mesh = plsc.VectorSubcoreMesh(core_axis_name="c", subcore_axis_name="s")

    @functools.partial(
        pl.kernel,
        mesh=mesh,
        out_type=jax.ShapeDtypeStruct((NW, per_w, DP), jnp.float32),
        scratch_types=[
            pltpu.VMEM((n_chunks, CHUNK), jnp.int32),
            pltpu.VMEM((NBUF, CHUNK, DP), jnp.float32),
        ]
        + [pltpu.SemaphoreType.DMA] * (2 * NBUF),
        compiler_params=pltpu.CompilerParams(use_tc_tiling_on_sc=True),
    )
    def emb(idx_hbm, table_hbm, out_hbm, idx_v, rows_v, *sems):
        gsem, wsem = sems[:NBUF], sems[NBUF:]
        wid = lax.axis_index("s") * NC + lax.axis_index("c")
        pltpu.sync_copy(idx_hbm.at[wid], idx_v)

        def gather(c, b, sem):
            return pltpu.make_async_copy(
                table_hbm.at[idx_v.at[c]], rows_v.at[b], sem)

        def write(c, b, sem):
            return pltpu.make_async_copy(
                rows_v.at[b], out_hbm.at[wid, pl.ds(c * CHUNK, CHUNK)], sem)

        for j in range(K):
            gather(j, j, gsem[j]).start()

        def group(g, carry):
            for b in range(NBUF):
                c = g * NBUF + b
                bk = (b + K) % NBUF

                @pl.when(c < n_chunks - K)
                def _issue():
                    @pl.when(c >= NBUF - K)
                    def _release():
                        write(c + K - NBUF, bk, wsem[bk]).wait()

                    gather(c + K, bk, gsem[bk]).start()

                gather(c, b, gsem[b]).wait()
                write(c, b, wsem[b]).start()
            return carry

        lax.fori_loop(0, n_chunks // NBUF, group, 0)
        for j in range(NBUF):
            c = n_chunks - NBUF + j
            write(c, c % NBUF, wsem[c % NBUF]).wait()

    out = emb(idx, table_p)
    return out.reshape(N, DP)[:, :D].reshape(B, S, D)

# --- scband reference (transcript-rebuilt; emitter-appended) ---
"""Pipeline reference for scband-word-embedding-69569880260796 (READ-ONLY COPY).

The authoritative reference and input builder live on the scoring server;
editing this copy changes nothing except your own understanding.
"""

import jax, jax.numpy as jnp
import numpy as np

VOCAB = 400001
DIM = 100

def setup_inputs(seed: int = 0) -> dict:
    key = jax.random.key(seed)
    k1, k2 = jax.random.split(key)
    x = jax.random.randint(k1, (4096, 200), 0, VOCAB, dtype=jnp.int64 if jax.config.jax_enable_x64 else jnp.int32).astype(jnp.int32)
    # Pretrained GloVe vectors stand-in: random normal, with final row zeros (padding row)
    table = jax.random.normal(k2, (VOCAB, DIM), dtype=jnp.float32)
    table = table.at[VOCAB - 1].set(0.0)
    return {"x": x, "table": table}

def reference(x, table):
    # nn.Embedding.from_pretrained lookup: gather rows of the table
    return jnp.take(table, x, axis=0)

if __name__ == "__main__":
    import jax
    _d = setup_inputs()
    print(jax.jit(kernel)(*tuple(_d.values())))

</pallas_src>

<mosaic_0001>
#map = affine_map<(d0, d1) -> (0, 0, 0)>
#map1 = affine_map<(d0, d1) -> (0, 0)>
module attributes {stable_mosaic.version = 14 : i64} {
  func.func @emb(%arg0: i32, %arg1: i32, %arg2: memref<32x200x128xi32, #tpu.memory_space<hbm>>, %arg3: memref<400001x128xf32, #tpu.memory_space<hbm>>, %arg4: memref<32x25600x128xf32, #tpu.memory_space<hbm>>, %arg5: memref<200x128xi32, #tpu.memory_space<vmem>>, %arg6: memref<5x128x128xf32, #tpu.memory_space<vmem>>, %arg7: memref<!tpu.dma_semaphore, #tpu.memory_space<semaphore_mem>>, %arg8: memref<!tpu.dma_semaphore, #tpu.memory_space<semaphore_mem>>, %arg9: memref<!tpu.dma_semaphore, #tpu.memory_space<semaphore_mem>>, %arg10: memref<!tpu.dma_semaphore, #tpu.memory_space<semaphore_mem>>, %arg11: memref<!tpu.dma_semaphore, #tpu.memory_space<semaphore_mem>>, %arg12: memref<!tpu.dma_semaphore, #tpu.memory_space<semaphore_mem>>, %arg13: memref<!tpu.dma_semaphore, #tpu.memory_space<semaphore_mem>>, %arg14: memref<!tpu.dma_semaphore, #tpu.memory_space<semaphore_mem>>, %arg15: memref<!tpu.dma_semaphore, #tpu.memory_space<semaphore_mem>>, %arg16: memref<!tpu.dma_semaphore, #tpu.memory_space<semaphore_mem>>) attributes {dimension_semantics = [#tpu.dimension_semantics<core_parallel>, #tpu.dimension_semantics<subcore_parallel>], iteration_bounds = array<i64: 2, 16>, scalar_prefetch = 0 : i64, scratch_operands = 12 : i64, tpu.core_type = #tpu.core_type<sc_vector_subcore>, window_params = [{transform_indices = #map}, {transform_indices = #map1}, {transform_indices = #map}]} {
    %mul3A = arith.constant 2 : i32
    %mul3A_0 = arith.muli %arg1, %mul3A : i32
    %add3A = arith.addi %mul3A_0, %arg0 : i32
    "tpu.region"() ({
      %run_scoped3A = tpu.sem_alloc : memref<!tpu.dma_semaphore, #tpu.memory_space<semaphore_mem>>
      %dma_start3A_113 = arith.constant 0 : i32
      %dma_start3A_114 = arith.constant 0 : i32
      %dma_start3A_115 = tpu.memref_slice %arg2[%add3A, %dma_start3A_113, %dma_start3A_114] : memref<32x200x128xi32, #tpu.memory_space<hbm>> -> memref<1x200x128xi32, #tpu.memory_space<hbm>>
      %dma_start3A_116 = tpu.memref_squeeze %dma_start3A_115 : memref<1x200x128xi32, #tpu.memory_space<hbm>> -> memref<200x128xi32, #tpu.memory_space<hbm>>
      %dma_start3A_117 = arith.constant 0 : i32
      %dma_start3A_118 = arith.constant 0 : i32
      %dma_start3A_119 = tpu.memref_slice %arg2[%add3A, %dma_start3A_117, %dma_start3A_118] : memref<32x200x128xi32, #tpu.memory_space<hbm>> -> memref<1x200x128xi32, #tpu.memory_space<hbm>>
      %dma_start3A_120 = tpu.memref_squeeze %dma_start3A_119 : memref<1x200x128xi32, #tpu.memory_space<hbm>> -> memref<200x128xi32, #tpu.memory_space<hbm>>
      tpu.enqueue_dma source(%dma_start3A_120 : memref<200x128xi32, #tpu.memory_space<hbm>>) target(%arg5 : memref<200x128xi32, #tpu.memory_space<vmem>>) target_semaphore(%run_scoped3A : memref<!tpu.dma_semaphore, #tpu.memory_space<semaphore_mem>>)
      %dma_wait3A_121 = arith.constant 0 : i32
      %dma_wait3A_122 = arith.constant 0 : i32
      %dma_wait3A_123 = tpu.memref_slice %arg2[%add3A, %dma_wait3A_121, %dma_wait3A_122] : memref<32x200x128xi32, #tpu.memory_space<hbm>> -> memref<1x200x128xi32, #tpu.memory_space<hbm>>
      %dma_wait3A_124 = tpu.memref_squeeze %dma_wait3A_123 : memref<1x200x128xi32, #tpu.memory_space<hbm>> -> memref<200x128xi32, #tpu.memory_space<hbm>>
      %dma_wait3A_125 = arith.constant 0 : i32
      %dma_wait3A_126 = arith.constant 0 : i32
      %dma_wait3A_127 = tpu.memref_slice %arg2[%add3A, %dma_wait3A_125, %dma_wait3A_126] : memref<32x200x128xi32, #tpu.memory_space<hbm>> -> memref<1x200x128xi32, #tpu.memory_space<hbm>>
      %dma_wait3A_128 = tpu.memref_squeeze %dma_wait3A_127 : memref<1x200x128xi32, #tpu.memory_space<hbm>> -> memref<200x128xi32, #tpu.memory_space<hbm>>
      tpu.wait_dma2 semaphore(%run_scoped3A : memref<!tpu.dma_semaphore, #tpu.memory_space<semaphore_mem>>) src(%dma_wait3A_128 : memref<200x128xi32, #tpu.memory_space<hbm>>) dst(%arg5 : memref<200x128xi32, #tpu.memory_space<vmem>>)
      tpu.yield
    }) : () -> ()
    %dma_start3A = arith.constant 0 : i32
    %dma_start3A_1 = arith.constant 0 : i32
    %dma_start3A_2 = arith.constant 0 : i32
    %dma_start3A_3 = arith.constant 0 : i32
    %dma_start3A_4 = tpu.memref_slice %arg6[%dma_start3A_1, %dma_start3A_2, %dma_start3A_3] : memref<5x128x128xf32, #tpu.memory_space<vmem>> -> memref<1x128x128xf32, #tpu.memory_space<vmem>>
    %dma_start3A_5 = tpu.memref_squeeze %dma_start3A_4 : memref<1x128x128xf32, #tpu.memory_space<vmem>> -> memref<128x128xf32, #tpu.memory_space<vmem>>
    %dma_start3A_6 = arith.constant 0 : i32
    %dma_start3A_7 = tpu.memref_slice %arg5[%dma_start3A, %dma_start3A_6] : memref<200x128xi32, #tpu.memory_space<vmem>> -> memref<1x128xi32, #tpu.memory_space<vmem>>
    %dma_start3A_8 = tpu.memref_squeeze %dma_start3A_7 : memref<1x128xi32, #tpu.memory_space<vmem>> -> memref<128xi32, #tpu.memory_space<vmem>>
    %dma_start3A_9 = arith.constant 0 : i32
    %dma_start3A_10 = arith.constant 0 : i32
    %dma_start3A_11 = tpu.memref_slice %arg3[%dma_start3A_9, %dma_start3A_10] : memref<400001x128xf32, #tpu.memory_space<hbm>> -> memref<400001x128xf32, #tpu.memory_space<hbm>>
    tpu.enqueue_indirect_dma source(%dma_start3A_11 : memref<400001x128xf32, #tpu.memory_space<hbm>>) target(%dma_start3A_5 : memref<128x128xf32, #tpu.memory_space<vmem>>) offsets(%dma_start3A_8 : memref<128xi32, #tpu.memory_space<vmem>>) semaphore(%arg7 : memref<!tpu.dma_semaphore, #tpu.memory_space<semaphore_mem>>)
    %dma_start3A_12 = arith.constant 1 : i32
    %dma_start3A_13 = arith.constant 1 : i32
    %dma_start3A_14 = arith.constant 0 : i32
    %dma_start3A_15 = arith.constant 0 : i32
    %dma_start3A_16 = tpu.memref_slice %arg6[%dma_start3A_13, %dma_start3A_14, %dma_start3A_15] : memref<5x128x128xf32, #tpu.memory_space<vmem>> -> memref<1x128x128xf32, #tpu.memory_space<vmem>>
    %dma_start3A_17 = tpu.memref_squeeze %dma_start3A_16 : memref<1x128x128xf32, #tpu.memory_space<vmem>> -> memref<128x128xf32, #tpu.memory_space<vmem>>
    %dma_start3A_18 = arith.constant 0 : i32
    %dma_start3A_19 = tpu.memref_slice %arg5[%dma_start3A_12, %dma_start3A_18] : memref<200x128xi32, #tpu.memory_space<vmem>> -> memref<1x128xi32, #tpu.memory_space<vmem>>
    %dma_start3A_20 = tpu.memref_squeeze %dma_start3A_19 : memref<1x128xi32, #tpu.memory_space<vmem>> -> memref<128xi32, #tpu.memory_space<vmem>>
    %dma_start3A_21 = arith.constant 0 : i32
    %dma_start3A_22 = arith.constant 0 : i32
    %dma_start3A_23 = tpu.memref_slice %arg3[%dma_start3A_21, %dma_start3A_22] : memref<400001x128xf32, #tpu.memory_space<hbm>> -> memref<400001x128xf32, #tpu.memory_space<hbm>>
    tpu.enqueue_indirect_dma source(%dma_start3A_23 : memref<400001x128xf32, #tpu.memory_space<hbm>>) target(%dma_start3A_17 : memref<128x128xf32, #tpu.memory_space<vmem>>) offsets(%dma_start3A_20 : memref<128xi32, #tpu.memory_space<vmem>>) semaphore(%arg8 : memref<!tpu.dma_semaphore, #tpu.memory_space<semaphore_mem>>)
    %scan3A = arith.constant 0 : i32
    %scan3A_24 = arith.constant 0 : i32
    %scan3A_25 = arith.constant 40 : i32
    %scan3A_26 = arith.addi %scan3A_24, %scan3A_25 : i32
    %scan3A_27 = arith.constant 1 : i32
    scf.for %scan3A_113 = %scan3A_24 to %scan3A_26 step %scan3A_27  : i32 {
      %mul3A_114 = arith.constant 5 : i32
      %mul3A_115 = arith.muli %scan3A_113, %mul3A_114 : i32
      %add3A_116 = arith.constant 0 : i32
      %add3A_117 = arith.addi %mul3A_115, %add3A_116 : i32
      %lt3A = arith.constant 198 : i32
      %lt3A_118 = arith.cmpi slt, %add3A_117, %lt3A : i32
      %convert_element_type3A = arith.extui %lt3A_118 : i1 to i32
      %cond3A = arith.constant 0 : i32
      %cond3A_119 = arith.cmpi ne, %convert_element_type3A, %cond3A : i32
      scf.if %cond3A_119 {
        %ge3A = arith.constant 3 : i32
        %ge3A_296 = arith.cmpi sge, %add3A_117, %ge3A : i32
        %convert_element_type3A_297 = arith.extui %ge3A_296 : i1 to i32
        %cond3A_298 = arith.constant 0 : i32
        %cond3A_299 = arith.cmpi ne, %convert_element_type3A_297, %cond3A_298 : i32
        scf.if %cond3A_299 {
          %add3A_313 = arith.constant 2 : i32
          %add3A_314 = arith.addi %add3A_117, %add3A_313 : i32
          %sub3A = arith.constant 5 : i32
          %sub3A_315 = arith.subi %add3A_314, %sub3A : i32
          %mul3A_316 = arith.constant 128 : i32
          %mul3A_317 = arith.muli %sub3A_315, %mul3A_316 : i32
          %dma_wait3A_318 = arith.constant 2 : i32
          %dma_wait3A_319 = arith.constant 0 : i32
          %dma_wait3A_320 = arith.constant 0 : i32
          %dma_wait3A_321 = tpu.memref_slice %arg6[%dma_wait3A_318, %dma_wait3A_319, %dma_wait3A_320] : memref<5x128x128xf32, #tpu.memory_space<vmem>> -> memref<1x128x128xf32, #tpu.memory_space<vmem>>
          %dma_wait3A_322 = tpu.memref_squeeze %dma_wait3A_321 : memref<1x128x128xf32, #tpu.memory_space<vmem>> -> memref<128x128xf32, #tpu.memory_space<vmem>>
          %dma_wait3A_323 = arith.constant 0 : i32
          %dma_wait3A_324 = tpu.memref_slice %arg4[%add3A, %mul3A_317, %dma_wait3A_323] : memref<32x25600x128xf32, #tpu.memory_space<hbm>> -> memref<1x128x128xf32, #tpu.memory_space<hbm>>
          %dma_wait3A_325 = tpu.memref_squeeze %dma_wait3A_324 : memref<1x128x128xf32, #tpu.memory_space<hbm>> -> memref<128x128xf32, #tpu.memory_space<hbm>>
          %dma_wait3A_326 = arith.constant 0 : i32
          %dma_wait3A_327 = tpu.memref_slice %arg4[%add3A, %mul3A_317, %dma_wait3A_326] : memref<32x25600x128xf32, #tpu.memory_space<hbm>> -> memref<1x128x128xf32, #tpu.memory_space<hbm>>
          %dma_wait3A_328 = tpu.memref_squeeze %dma_wait3A_327 : memref<1x128x128xf32, #tpu.memory_space<hbm>> -> memref<128x128xf32, #tpu.memory_space<hbm>>
          %dma_wait3A_329 = arith.constant 0 : i32
          %dma_wait3A_330 = arith.constant 0 : i32
          %dma_wait3A_331 = tpu.memref_slice %arg6[%dma_wait3A_318, %dma_wait3A_329, %dma_wait3A_330] : memref<5x128x128xf32, #tpu.memory_space<vmem>> -> memref<1x128x128xf32, #tpu.memory_space<vmem>>
          %dma_wait3A_332 = tpu.memref_squeeze %dma_wait3A_331 : memref<1x128x128xf32, #tpu.memory_space<vmem>> -> memref<128x128xf32, #tpu.memory_space<vmem>>
          tpu.wait_dma2 semaphore(%arg14 : memref<!tpu.dma_semaphore, #tpu.memory_space<semaphore_mem>>) src(%dma_wait3A_332 : memref<128x128xf32, #tpu.memory_space<vmem>>) dst(%dma_wait3A_328 : memref<128x128xf32, #tpu.memory_space<hbm>>)
        } else {
        }
        %add3A_300 = arith.constant 2 : i32
        %add3A_301 = arith.addi %add3A_117, %add3A_300 : i32
        %dma_start3A_302 = arith.constant 2 : i32
        %dma_start3A_303 = arith.constant 0 : i32
        %dma_start3A_304 = arith.constant 0 : i32
        %dma_start3A_305 = tpu.memref_slice %arg6[%dma_start3A_302, %dma_start3A_303, %dma_start3A_304] : memref<5x128x128xf32, #tpu.memory_space<vmem>> -> memref<1x128x128xf32, #tpu.memory_space<vmem>>
        %dma_start3A_306 = tpu.memref_squeeze %dma_start3A_305 : memref<1x128x128xf32, #tpu.memory_space<vmem>> -> memref<128x128xf32, #tpu.memory_space<vmem>>
        %dma_start3A_307 = arith.constant 0 : i32
        %dma_start3A_308 = tpu.memref_slice %arg5[%add3A_301, %dma_start3A_307] : memref<200x128xi32, #tpu.memory_space<vmem>> -> memref<1x128xi32, #tpu.memory_space<vmem>>
        %dma_start3A_309 = tpu.memref_squeeze %dma_start3A_308 : memref<1x128xi32, #tpu.memory_space<vmem>> -> memref<128xi32, #tpu.memory_space<vmem>>
        %dma_start3A_310 = arith.constant 0 : i32
        %dma_start3A_311 = arith.constant 0 : i32
        %dma_start3A_312 = tpu.memref_slice %arg3[%dma_start3A_310, %dma_start3A_311] : memref<400001x128xf32, #tpu.memory_space<hbm>> -> memref<400001x128xf32, #tpu.memory_space<hbm>>
        tpu.enqueue_indirect_dma source(%dma_start3A_312 : memref<400001x128xf32, #tpu.memory_space<hbm>>) target(%dma_start3A_306 : memref<128x128xf32, #tpu.memory_space<vmem>>) offsets(%dma_start3A_309 : memref<128xi32, #tpu.memory_space<vmem>>) semaphore(%arg9 : memref<!tpu.dma_semaphore, #tpu.memory_space<semaphore_mem>>)
      } else {
      }
      %dma_wait3A_120 = arith.constant 0 : i32
      %dma_wait3A_121 = arith.constant 0 : i32
      %dma_wait3A_122 = arith.constant 0 : i32
      %dma_wait3A_123 = tpu.memref_slice %arg6[%dma_wait3A_120, %dma_wait3A_121, %dma_wait3A_122] : memref<5x128x128xf32, #tpu.memory_space<vmem>> -> memref<1x128x128xf32, #tpu.memory_space<vmem>>
      %dma_wait3A_124 = tpu.memref_squeeze %dma_wait3A_123 : memref<1x128x128xf32, #tpu.memory_space<vmem>> -> memref<128x128xf32, #tpu.memory_space<vmem>>
      %dma_wait3A_125 = arith.constant 0 : i32
      %dma_wait3A_126 = tpu.memref_slice %arg5[%add3A_117, %dma_wait3A_125] : memref<200x128xi32, #tpu.memory_space<vmem>> -> memref<1x128xi32, #tpu.memory_space<vmem>>
      %dma_wait3A_127 = tpu.memref_squeeze %dma_wait3A_126 : memref<1x128xi32, #tpu.memory_space<vmem>> -> memref<128xi32, #tpu.memory_space<vmem>>
      %dma_wait3A_128 = arith.constant 0 : i32
      %dma_wait3A_129 = arith.constant 0 : i32
      %dma_wait3A_130 = tpu.memref_slice %arg3[%dma_wait3A_128, %dma_wait3A_129] : memref<400001x128xf32, #tpu.memory_space<hbm>> -> memref<400001x128xf32, #tpu.memory_space<hbm>>
      tpu.wait_indirect_dma semaphore(%arg7 : memref<!tpu.dma_semaphore, #tpu.memory_space<semaphore_mem>>) src(%dma_wait3A_130 : memref<400001x128xf32, #tpu.memory_space<hbm>>) dst(%dma_wait3A_124 : memref<128x128xf32, #tpu.memory_space<vmem>>)
      %mul3A_131 = arith.constant 128 : i32
      %mul3A_132 = arith.muli %add3A_117, %mul3A_131 : i32
      %dma_start3A_133 = arith.constant 0 : i32
      %dma_start3A_134 = arith.constant 0 : i32
      %dma_start3A_135 = arith.constant 0 : i32
      %dma_start3A_136 = tpu.memref_slice %arg6[%dma_start3A_133, %dma_start3A_134, %dma_start3A_135] : memref<5x128x128xf32, #tpu.memory_space<vmem>> -> memref<1x128x128xf32, #tpu.memory_space<vmem>>
      %dma_start3A_137 = tpu.memref_squeeze %dma_start3A_136 : memref<1x128x128xf32, #tpu.memory_space<vmem>> -> memref<128x128xf32, #tpu.memory_space<vmem>>
      %dma_start3A_138 = arith.constant 0 : i32
      %dma_start3A_139 = tpu.memref_slice %arg4[%add3A, %mul3A_132, %dma_start3A_138] : memref<32x25600x128xf32, #tpu.memory_space<hbm>> -> memref<1x128x128xf32, #tpu.memory_space<hbm>>
      %dma_start3A_140 = tpu.memref_squeeze %dma_start3A_139 : memref<1x128x128xf32, #tpu.memory_space<hbm>> -> memref<128x128xf32, #tpu.memory_space<hbm>>
      %dma_start3A_141 = arith.constant 0 : i32
      %dma_start3A_142 = tpu.memref_slice %arg4[%add3A, %mul3A_132, %dma_start3A_141] : memref<32x25600x128xf32, #tpu.memory_space<hbm>> -> memref<1x128x128xf32, #tpu.memory_space<hbm>>
      %dma_start3A_143 = tpu.memref_squeeze %dma_start3A_142 : memref<1x128x128xf32, #tpu.memory_space<hbm>> -> memref<128x128xf32, #tpu.memory_space<hbm>>
      %dma_start3A_144 = arith.constant 0 : i32
      %dma_start3A_145 = arith.constant 0 : i32
      %dma_start3A_146 = tpu.memref_slice %arg6[%dma_start3A_133, %dma_start3A_144, %dma_start3A_145] : memref<5x128x128xf32, #tpu.memory_space<vmem>> -> memref<1x128x128xf32, #tpu.memory_space<vmem>>
      %dma_start3A_147 = tpu.memref_squeeze %dma_start3A_146 : memref<1x128x128xf32, #tpu.memory_space<vmem>> -> memref<128x128xf32, #tpu.memory_space<vmem>>
      tpu.enqueue_dma source(%dma_start3A_147 : memref<128x128xf32, #tpu.memory_space<vmem>>) target(%dma_start3A_143 : memref<128x128xf32, #tpu.memory_space<hbm>>) target_semaphore(%arg12 : memref<!tpu.dma_semaphore, #tpu.memory_space<semaphore_mem>>)
      %mul3A_148 = arith.constant 5 : i32
      %mul3A_149 = arith.muli %scan3A_113, %mul3A_148 : i32
      %add3A_150 = arith.constant 1 : i32
      %add3A_151 = arith.addi %mul3A_149, %add3A_150 : i32
      %lt3A_152 = arith.constant 198 : i32
      %lt3A_153 = arith.cmpi slt, %add3A_151, %lt3A_152 : i32
      %convert_element_type3A_154 = arith.extui %lt3A_153 : i1 to i32
      %cond3A_155 = arith.constant 0 : i32
      %cond3A_156 = arith.cmpi ne, %convert_element_type3A_154, %cond3A_155 : i32
      scf.if %cond3A_156 {
        %ge3A = arith.constant 3 : i32
        %ge3A_296 = arith.cmpi sge, %add3A_151, %ge3A : i32
        %convert_element_type3A_297 = arith.extui %ge3A_296 : i1 to i32
        %cond3A_298 = arith.constant 0 : i32
        %cond3A_299 = arith.cmpi ne, %convert_element_type3A_297, %cond3A_298 : i32
        scf.if %cond3A_299 {
          %add3A_313 = arith.constant 2 : i32
          %add3A_314 = arith.addi %add3A_151, %add3A_313 : i32
          %sub3A = arith.constant 5 : i32
          %sub3A_315 = arith.subi %add3A_314, %sub3A : i32
          %mul3A_316 = arith.constant 128 : i32
          %mul3A_317 = arith.muli %sub3A_315, %mul3A_316 : i32
          %dma_wait3A_318 = arith.constant 3 : i32
          %dma_wait3A_319 = arith.constant 0 : i32
          %dma_wait3A_320 = arith.constant 0 : i32
          %dma_wait3A_321 = tpu.memref_slice %arg6[%dma_wait3A_318, %dma_wait3A_319, %dma_wait3A_320] : memref<5x128x128xf32, #tpu.memory_space<vmem>> -> memref<1x128x128xf32, #tpu.memory_space<vmem>>
          %dma_wait3A_322 = tpu.memref_squeeze %dma_wait3A_321 : memref<1x128x128xf32, #tpu.memory_space<vmem>> -> memref<128x128xf32, #tpu.memory_space<vmem>>
          %dma_wait3A_323 = arith.constant 0 : i32
          %dma_wait3A_324 = tpu.memref_slice %arg4[%add3A, %mul3A_317, %dma_wait3A_323] : memref<32x25600x128xf32, #tpu.memory_space<hbm>> -> memref<1x128x128xf32, #tpu.memory_space<hbm>>
          %dma_wait3A_325 = tpu.memref_squeeze %dma_wait3A_324 : memref<1x128x128xf32, #tpu.memory_space<hbm>> -> memref<128x128xf32, #tpu.memory_space<hbm>>
          %dma_wait3A_326 = arith.constant 0 : i32
          %dma_wait3A_327 = tpu.memref_slice %arg4[%add3A, %mul3A_317, %dma_wait3A_326] : memref<32x25600x128xf32, #tpu.memory_space<hbm>> -> memref<1x128x128xf32, #tpu.memory_space<hbm>>
          %dma_wait3A_328 = tpu.memref_squeeze %dma_wait3A_327 : memref<1x128x128xf32, #tpu.memory_space<hbm>> -> memref<128x128xf32, #tpu.memory_space<hbm>>
          %dma_wait3A_329 = arith.constant 0 : i32
          %dma_wait3A_330 = arith.constant 0 : i32
          %dma_wait3A_331 = tpu.memref_slice %arg6[%dma_wait3A_318, %dma_wait3A_329, %dma_wait3A_330] : memref<5x128x128xf32, #tpu.memory_space<vmem>> -> memref<1x128x128xf32, #tpu.memory_space<vmem>>
          %dma_wait3A_332 = tpu.memref_squeeze %dma_wait3A_331 : memref<1x128x128xf32, #tpu.memory_space<vmem>> -> memref<128x128xf32, #tpu.memory_space<vmem>>
          tpu.wait_dma2 semaphore(%arg15 : memref<!tpu.dma_semaphore, #tpu.memory_space<semaphore_mem>>) src(%dma_wait3A_332 : memref<128x128xf32, #tpu.memory_space<vmem>>) dst(%dma_wait3A_328 : memref<128x128xf32, #tpu.memory_space<hbm>>)
        } else {
        }
        %add3A_300 = arith.constant 2 : i32
        %add3A_301 = arith.addi %add3A_151, %add3A_300 : i32
        %dma_start3A_302 = arith.constant 3 : i32
        %dma_start3A_303 = arith.constant 0 : i32
        %dma_start3A_304 = arith.constant 0 : i32
        %dma_start3A_305 = tpu.memref_slice %arg6[%dma_start3A_302, %dma_start3A_303, %dma_start3A_304] : memref<5x128x128xf32, #tpu.memory_space<vmem>> -> memref<1x128x128xf32, #tpu.memory_space<vmem>>
        %dma_start3A_306 = tpu.memref_squeeze %dma_start3A_305 : memref<1x128x128xf32, #tpu.memory_space<vmem>> -> memref<128x128xf32, #tpu.memory_space<vmem>>
        %dma_start3A_307 = arith.constant 0 : i32
        %dma_start3A_308 = tpu.memref_slice %arg5[%add3A_301, %dma_start3A_307] : memref<200x128xi32, #tpu.memory_space<vmem>> -> memref<1x128xi32, #tpu.memory_space<vmem>>
        %dma_start3A_309 = tpu.memref_squeeze %dma_start3A_308 : memref<1x128xi32, #tpu.memory_space<vmem>> -> memref<128xi32, #tpu.memory_space<vmem>>
        %dma_start3A_310 = arith.constant 0 : i32
        %dma_start3A_311 = arith.constant 0 : i32
        %dma_start3A_312 = tpu.memref_slice %arg3[%dma_start3A_310, %dma_start3A_311] : memref<400001x128xf32, #tpu.memory_space<hbm>> -> memref<400001x128xf32, #tpu.memory_space<hbm>>
        tpu.enqueue_indirect_dma source(%dma_start3A_312 : memref<400001x128xf32, #tpu.memory_space<hbm>>) target(%dma_start3A_306 : memref<128x128xf32, #tpu.memory_space<vmem>>) offsets(%dma_start3A_309 : memref<128xi32, #tpu.memory_space<vmem>>) semaphore(%arg10 : memref<!tpu.dma_semaphore, #tpu.memory_space<semaphore_mem>>)
      } else {
      }
      %dma_wait3A_157 = arith.constant 1 : i32
      %dma_wait3A_158 = arith.constant 0 : i32
      %dma_wait3A_159 = arith.constant 0 : i32
      %dma_wait3A_160 = tpu.memref_slice %arg6[%dma_wait3A_157, %dma_wait3A_158, %dma_wait3A_159] : memref<5x128x128xf32, #tpu.memory_space<vmem>> -> memref<1x128x128xf32, #tpu.memory_space<vmem>>
      %dma_wait3A_161 = tpu.memref_squeeze %dma_wait3A_160 : memref<1x128x128xf32, #tpu.memory_space<vmem>> -> memref<128x128xf32, #tpu.memory_space<vmem>>
      %dma_wait3A_162 = arith.constant 0 : i32
      %dma_wait3A_163 = tpu.memref_slice %arg5[%add3A_151, %dma_wait3A_162] : memref<200x128xi32, #tpu.memory_space<vmem>> -> memref<1x128xi32, #tpu.memory_space<vmem>>
      %dma_wait3A_164 = tpu.memref_squeeze %dma_wait3A_163 : memref<1x128xi32, #tpu.memory_space<vmem>> -> memref<128xi32, #tpu.memory_space<vmem>>
      %dma_wait3A_165 = arith.constant 0 : i32
      %dma_wait3A_166 = arith.constant 0 : i32
      %dma_wait3A_167 = tpu.memref_slice %arg3[%dma_wait3A_165, %dma_wait3A_166] : memref<400001x128xf32, #tpu.memory_space<hbm>> -> memref<400001x128xf32, #tpu.memory_space<hbm>>
      tpu.wait_indirect_dma semaphore(%arg8 : memref<!tpu.dma_semaphore, #tpu.memory_space<semaphore_mem>>) src(%dma_wait3A_167 : memref<400001x128xf32, #tpu.memory_space<hbm>>) dst(%dma_wait3A_161 : memref<128x128xf32, #tpu.memory_space<vmem>>)
      %mul3A_168 = arith.constant 128 : i32
      %mul3A_169 = arith.muli %add3A_151, %mul3A_168 : i32
      %dma_start3A_170 = arith.constant 1 : i32
      %dma_start3A_171 = arith.constant 0 : i32
      %dma_start3A_172 = arith.constant 0 : i32
      %dma_start3A_173 = tpu.memref_slice %arg6[%dma_start3A_170, %dma_start3A_171, %dma_start3A_172] : memref<5x128x128xf32, #tpu.memory_space<vmem>> -> memref<1x128x128xf32, #tpu.memory_space<vmem>>
      %dma_start3A_174 = tpu.memref_squeeze %dma_start3A_173 : memref<1x128x128xf32, #tpu.memory_space<vmem>> -> memref<128x128xf32, #tpu.memory_space<vmem>>
      %dma_start3A_175 = arith.constant 0 : i32
      %dma_start3A_176 = tpu.memref_slice %arg4[%add3A, %mul3A_169, %dma_start3A_175] : memref<32x25600x128xf32, #tpu.memory_space<hbm>> -> memref<1x128x128xf32, #tpu.memory_space<hbm>>
      %dma_start3A_177 = tpu.memref_squeeze %dma_start3A_176 : memref<1x128x128xf32, #tpu.memory_space<hbm>> -> memref<128x128xf32, #tpu.memory_space<hbm>>
      %dma_start3A_178 = arith.constant 0 : i32
      %dma_start3A_179 = tpu.memref_slice %arg4[%add3A, %mul3A_169, %dma_start3A_178] : memref<32x25600x128xf32, #tpu.memory_space<hbm>> -> memref<1x128x128xf32, #tpu.memory_space<hbm>>
      %dma_start3A_180 = tpu.memref_squeeze %dma_start3A_179 : memref<1x128x128xf32, #tpu.memory_space<hbm>> -> memref<128x128xf32, #tpu.memory_space<hbm>>
      %dma_start3A_181 = arith.constant 0 : i32
      %dma_start3A_182 = arith.constant 0 : i32
      %dma_start3A_183 = tpu.memref_slice %arg6[%dma_start3A_170, %dma_start3A_181, %dma_start3A_182] : memref<5x128x128xf32, #tpu.memory_space<vmem>> -> memref<1x128x128xf32, #tpu.memory_space<vmem>>
      %dma_start3A_184 = tpu.memref_squeeze %dma_start3A_183 : memref<1x128x128xf32, #tpu.memory_space<vmem>> -> memref<128x128xf32, #tpu.memory_space<vmem>>
      tpu.enqueue_dma source(%dma_start3A_184 : memref<128x128xf32, #tpu.memory_space<vmem>>) target(%dma_start3A_180 : memref<128x128xf32, #tpu.memory_space<hbm>>) target_semaphore(%arg13 : memref<!tpu.dma_semaphore, #tpu.memory_space<semaphore_mem>>)
      %mul3A_185 = arith.constant 5 : i32
      %mul3A_186 = arith.muli %scan3A_113, %mul3A_185 : i32
      %add3A_187 = arith.constant 2 : i32
      %add3A_188 = arith.addi %mul3A_186, %add3A_187 : i32
      %lt3A_189 = arith.constant 198 : i32
      %lt3A_190 = arith.cmpi slt, %add3A_188, %lt3A_189 : i32
      %convert_element_type3A_191 = arith.extui %lt3A_190 : i1 to i32
      %cond3A_192 = arith.constant 0 : i32
      %cond3A_193 = arith.cmpi ne, %convert_element_type3A_191, %cond3A_192 : i32
      scf.if %cond3A_193 {
        %ge3A = arith.constant 3 : i32
        %ge3A_296 = arith.cmpi sge, %add3A_188, %ge3A : i32
        %convert_element_type3A_297 = arith.extui %ge3A_296 : i1 to i32
        %cond3A_298 = arith.constant 0 : i32
        %cond3A_299 = arith.cmpi ne, %convert_element_type3A_297, %cond3A_298 : i32
        scf.if %cond3A_299 {
          %add3A_313 = arith.constant 2 : i32
          %add3A_314 = arith.addi %add3A_188, %add3A_313 : i32
          %sub3A = arith.constant 5 : i32
          %sub3A_315 = arith.subi %add3A_314, %sub3A : i32
          %mul3A_316 = arith.constant 128 : i32
          %mul3A_317 = arith.muli %sub3A_315, %mul3A_316 : i32
          %dma_wait3A_318 = arith.constant 4 : i32
          %dma_wait3A_319 = arith.constant 0 : i32
          %dma_wait3A_320 = arith.constant 0 : i32
          %dma_wait3A_321 = tpu.memref_slice %arg6[%dma_wait3A_318, %dma_wait3A_319, %dma_wait3A_320] : memref<5x128x128xf32, #tpu.memory_space<vmem>> -> memref<1x128x128xf32, #tpu.memory_space<vmem>>
          %dma_wait3A_322 = tpu.memref_squeeze %dma_wait3A_321 : memref<1x128x128xf32, #tpu.memory_space<vmem>> -> memref<128x128xf32, #tpu.memory_space<vmem>>
          %dma_wait3A_323 = arith.constant 0 : i32
          %dma_wait3A_324 = tpu.memref_slice %arg4[%add3A, %mul3A_317, %dma_wait3A_323] : memref<32x25600x128xf32, #tpu.memory_space<hbm>> -> memref<1x128x128xf32, #tpu.memory_space<hbm>>
          %dma_wait3A_325 = tpu.memref_squeeze %dma_wait3A_324 : memref<1x128x128xf32, #tpu.memory_space<hbm>> -> memref<128x128xf32, #tpu.memory_space<hbm>>
          %dma_wait3A_326 = arith.constant 0 : i32
          %dma_wait3A_327 = tpu.memref_slice %arg4[%add3A, %mul3A_317, %dma_wait3A_326] : memref<32x25600x128xf32, #tpu.memory_space<hbm>> -> memref<1x128x128xf32, #tpu.memory_space<hbm>>
          %dma_wait3A_328 = tpu.memref_squeeze %dma_wait3A_327 : memref<1x128x128xf32, #tpu.memory_space<hbm>> -> memref<128x128xf32, #tpu.memory_space<hbm>>
          %dma_wait3A_329 = arith.constant 0 : i32
          %dma_wait3A_330 = arith.constant 0 : i32
          %dma_wait3A_331 = tpu.memref_slice %arg6[%dma_wait3A_318, %dma_wait3A_329, %dma_wait3A_330] : memref<5x128x128xf32, #tpu.memory_space<vmem>> -> memref<1x128x128xf32, #tpu.memory_space<vmem>>
          %dma_wait3A_332 = tpu.memref_squeeze %dma_wait3A_331 : memref<1x128x128xf32, #tpu.memory_space<vmem>> -> memref<128x128xf32, #tpu.memory_space<vmem>>
          tpu.wait_dma2 semaphore(%arg16 : memref<!tpu.dma_semaphore, #tpu.memory_space<semaphore_mem>>) src(%dma_wait3A_332 : memref<128x128xf32, #tpu.memory_space<vmem>>) dst(%dma_wait3A_328 : memref<128x128xf32, #tpu.memory_space<hbm>>)
        } else {
        }
        %add3A_300 = arith.constant 2 : i32
        %add3A_301 = arith.addi %add3A_188, %add3A_300 : i32
        %dma_start3A_302 = arith.constant 4 : i32
        %dma_start3A_303 = arith.constant 0 : i32
        %dma_start3A_304 = arith.constant 0 : i32
        %dma_start3A_305 = tpu.memref_slice %arg6[%dma_start3A_302, %dma_start3A_303, %dma_start3A_304] : memref<5x128x128xf32, #tpu.memory_space<vmem>> -> memref<1x128x128xf32, #tpu.memory_space<vmem>>
        %dma_start3A_306 = tpu.memref_squeeze %dma_start3A_305 : memref<1x128x128xf32, #tpu.memory_space<vmem>> -> memref<128x128xf32, #tpu.memory_space<vmem>>
        %dma_start3A_307 = arith.constant 0 : i32
        %dma_start3A_308 = tpu.memref_slice %arg5[%add3A_301, %dma_start3A_307] : memref<200x128xi32, #tpu.memory_space<vmem>> -> memref<1x128xi32, #tpu.memory_space<vmem>>
        %dma_start3A_309 = tpu.memref_squeeze %dma_start3A_308 : memref<1x128xi32, #tpu.memory_space<vmem>> -> memref<128xi32, #tpu.memory_space<vmem>>
        %dma_start3A_310 = arith.constant 0 : i32
        %dma_start3A_311 = arith.constant 0 : i32
        %dma_start3A_312 = tpu.memref_slice %arg3[%dma_start3A_310, %dma_start3A_311] : memref<400001x128xf32, #tpu.memory_space<hbm>> -> memref<400001x128xf32, #tpu.memory_space<hbm>>
        tpu.enqueue_indirect_dma source(%dma_start3A_312 : memref<400001x128xf32, #tpu.memory_space<hbm>>) target(%dma_start3A_306 : memref<128x128xf32, #tpu.memory_space<vmem>>) offsets(%dma_start3A_309 : memref<128xi32, #tpu.memory_space<vmem>>) semaphore(%arg11 : memref<!tpu.dma_semaphore, #tpu.memory_space<semaphore_mem>>)
      } else {
      }
      %dma_wait3A_194 = arith.constant 2 : i32
      %dma_wait3A_195 = arith.constant 0 : i32
      %dma_wait3A_196 = arith.constant 0 : i32
      %dma_wait3A_197 = tpu.memref_slice %arg6[%dma_wait3A_194, %dma_wait3A_195, %dma_wait3A_196] : memref<5x128x128xf32, #tpu.memory_space<vmem>> -> memref<1x128x128xf32, #tpu.memory_space<vmem>>
      %dma_wait3A_198 = tpu.memref_squeeze %dma_wait3A_197 : memref<1x128x128xf32, #tpu.memory_space<vmem>> -> memref<128x128xf32, #tpu.memory_space<vmem>>
      %dma_wait3A_199 = arith.constant 0 : i32
      %dma_wait3A_200 = tpu.memref_slice %arg5[%add3A_188, %dma_wait3A_199] : memref<200x128xi32, #tpu.memory_space<vmem>> -> memref<1x128xi32, #tpu.memory_space<vmem>>
      %dma_wait3A_201 = tpu.memref_squeeze %dma_wait3A_200 : memref<1x128xi32, #tpu.memory_space<vmem>> -> memref<128xi32, #tpu.memory_space<vmem>>
      %dma_wait3A_202 = arith.constant 0 : i32
      %dma_wait3A_203 = arith.constant 0 : i32
      %dma_wait3A_204 = tpu.memref_slice %arg3[%dma_wait3A_202, %dma_wait3A_203] : memref<400001x128xf32, #tpu.memory_space<hbm>> -> memref<400001x128xf32, #tpu.memory_space<hbm>>
      tpu.wait_indirect_dma semaphore(%arg9 : memref<!tpu.dma_semaphore, #tpu.memory_space<semaphore_mem>>) src(%dma_wait3A_204 : memref<400001x128xf32, #tpu.memory_space<hbm>>) dst(%dma_wait3A_198 : memref<128x128xf32, #tpu.memory_space<vmem>>)
      %mul3A_205 = arith.constant 128 : i32
      %mul3A_206 = arith.muli %add3A_188, %mul3A_205 : i32
      %dma_start3A_207 = arith.constant 2 : i32
      %dma_start3A_208 = arith.constant 0 : i32
      %dma_start3A_209 = arith.constant 0 : i32
      %dma_start3A_210 = tpu.memref_slice %arg6[%dma_start3A_207, %dma_start3A_208, %dma_start3A_209] : memref<5x128x128xf32, #tpu.memory_space<vmem>> -> memref<1x128x128xf32, #tpu.memory_space<vmem>>
      %dma_start3A_211 = tpu.memref_squeeze %dma_start3A_210 : memref<1x128x128xf32, #tpu.memory_space<vmem>> -> memref<128x128xf32, #tpu.memory_space<vmem>>
      %dma_start3A_212 = arith.constant 0 : i32
      %dma_start3A_213 = tpu.memref_slice %arg4[%add3A, %mul3A_206, %dma_start3A_212] : memref<32x25600x128xf32, #tpu.memory_space<hbm>> -> memref<1x128x128xf32, #tpu.memory_space<hbm>>
      %dma_start3A_214 = tpu.memref_squeeze %dma_start3A_213 : memref<1x128x128xf32, #tpu.memory_space<hbm>> -> memref<128x128xf32, #tpu.memory_space<hbm>>
      %dma_start3A_215 = arith.constant 0 : i32
      %dma_start3A_216 = tpu.memref_slice %arg4[%add3A, %mul3A_206, %dma_start3A_215] : memref<32x25600x128xf32, #tpu.memory_space<hbm>> -> memref<1x128x128xf32, #tpu.memory_space<hbm>>
      %dma_start3A_217 = tpu.memref_squeeze %dma_start3A_216 : memref<1x128x128xf32, #tpu.memory_space<hbm>> -> memref<128x128xf32, #tpu.memory_space<hbm>>
      %dma_start3A_218 = arith.constant 0 : i32
      %dma_start3A_219 = arith.constant 0 : i32
      %dma_start3A_220 = tpu.memref_slice %arg6[%dma_start3A_207, %dma_start3A_218, %dma_start3A_219] : memref<5x128x128xf32, #tpu.memory_space<vmem>> -> memref<1x128x128xf32, #tpu.memory_space<vmem>>
      %dma_start3A_221 = tpu.memref_squeeze %dma_start3A_220 : memref<1x128x128xf32, #tpu.memory_space<vmem>> -> memref<128x128xf32, #tpu.memory_space<vmem>>
      tpu.enqueue_dma source(%dma_start3A_221 : memref<128x128xf32, #tpu.memory_space<vmem>>) target(%dma_start3A_217 : memref<128x128xf32, #tpu.memory_space<hbm>>) target_semaphore(%arg14 : memref<!tpu.dma_semaphore, #tpu.memory_space<semaphore_mem>>)
      %mul3A_222 = arith.constant 5 : i32
      %mul3A_223 = arith.muli %scan3A_113, %mul3A_222 : i32
      %add3A_224 = arith.constant 3 : i32
      %add3A_225 = arith.addi %mul3A_223, %add3A_224 : i32
      %lt3A_226 = arith.constant 198 : i32
      %lt3A_227 = arith.cmpi slt, %add3A_225, %lt3A_226 : i32
      %convert_element_type3A_228 = arith.extui %lt3A_227 : i1 to i32
      %cond3A_229 = arith.constant 0 : i32
      %cond3A_230 = arith.cmpi ne, %convert_element_type3A_228, %cond3A_229 : i32
      scf.if %cond3A_230 {
        %ge3A = arith.constant 3 : i32
        %ge3A_296 = arith.cmpi sge, %add3A_225, %ge3A : i32
        %convert_element_type3A_297 = arith.extui %ge3A_296 : i1 to i32
        %cond3A_298 = arith.constant 0 : i32
        %cond3A_299 = arith.cmpi ne, %convert_element_type3A_297, %cond3A_298 : i32
        scf.if %cond3A_299 {
          %add3A_313 = arith.constant 2 : i32
          %add3A_314 = arith.addi %add3A_225, %add3A_313 : i32
          %sub3A = arith.constant 5 : i32
          %sub3A_315 = arith.subi %add3A_314, %sub3A : i32
          %mul3A_316 = arith.constant 128 : i32
          %mul3A_317 = arith.muli %sub3A_315, %mul3A_316 : i32
          %dma_wait3A_318 = arith.constant 0 : i32
          %dma_wait3A_319 = arith.constant 0 : i32
          %dma_wait3A_320 = arith.constant 0 : i32
          %dma_wait3A_321 = tpu.memref_slice %arg6[%dma_wait3A_318, %dma_wait3A_319, %dma_wait3A_320] : memref<5x128x128xf32, #tpu.memory_space<vmem>> -> memref<1x128x128xf32, #tpu.memory_space<vmem>>
          %dma_wait3A_322 = tpu.memref_squeeze %dma_wait3A_321 : memref<1x128x128xf32, #tpu.memory_space<vmem>> -> memref<128x128xf32, #tpu.memory_space<vmem>>
          %dma_wait3A_323 = arith.constant 0 : i32
          %dma_wait3A_324 = tpu.memref_slice %arg4[%add3A, %mul3A_317, %dma_wait3A_323] : memref<32x25600x128xf32, #tpu.memory_space<hbm>> -> memref<1x128x128xf32, #tpu.memory_space<hbm>>
          %dma_wait3A_325 = tpu.memref_squeeze %dma_wait3A_324 : memref<1x128x128xf32, #tpu.memory_space<hbm>> -> memref<128x128xf32, #tpu.memory_space<hbm>>
          %dma_wait3A_326 = arith.constant 0 : i32
          %dma_wait3A_327 = tpu.memref_slice %arg4[%add3A, %mul3A_317, %dma_wait3A_326] : memref<32x25600x128xf32, #tpu.memory_space<hbm>> -> memref<1x128x128xf32, #tpu.memory_space<hbm>>
          %dma_wait3A_328 = tpu.memref_squeeze %dma_wait3A_327 : memref<1x128x128xf32, #tpu.memory_space<hbm>> -> memref<128x128xf32, #tpu.memory_space<hbm>>
          %dma_wait3A_329 = arith.constant 0 : i32
          %dma_wait3A_330 = arith.constant 0 : i32
          %dma_wait3A_331 = tpu.memref_slice %arg6[%dma_wait3A_318, %dma_wait3A_329, %dma_wait3A_330] : memref<5x128x128xf32, #tpu.memory_space<vmem>> -> memref<1x128x128xf32, #tpu.memory_space<vmem>>
          %dma_wait3A_332 = tpu.memref_squeeze %dma_wait3A_331 : memref<1x128x128xf32, #tpu.memory_space<vmem>> -> memref<128x128xf32, #tpu.memory_space<vmem>>
          tpu.wait_dma2 semaphore(%arg12 : memref<!tpu.dma_semaphore, #tpu.memory_space<semaphore_mem>>) src(%dma_wait3A_332 : memref<128x128xf32, #tpu.memory_space<vmem>>) dst(%dma_wait3A_328 : memref<128x128xf32, #tpu.memory_space<hbm>>)
        } else {
        }
        %add3A_300 = arith.constant 2 : i32
        %add3A_301 = arith.addi %add3A_225, %add3A_300 : i32
        %dma_start3A_302 = arith.constant 0 : i32
        %dma_start3A_303 = arith.constant 0 : i32
        %dma_start3A_304 = arith.constant 0 : i32
        %dma_start3A_305 = tpu.memref_slice %arg6[%dma_start3A_302, %dma_start3A_303, %dma_start3A_304] : memref<5x128x128xf32, #tpu.memory_space<vmem>> -> memref<1x128x128xf32, #tpu.memory_space<vmem>>
        %dma_start3A_306 = tpu.memref_squeeze %dma_start3A_305 : memref<1x128x128xf32, #tpu.memory_space<vmem>> -> memref<128x128xf32, #tpu.memory_space<vmem>>
        %dma_start3A_307 = arith.constant 0 : i32
        %dma_start3A_308 = tpu.memref_slice %arg5[%add3A_301, %dma_start3A_307] : memref<200x128xi32, #tpu.memory_space<vmem>> -> memref<1x128xi32, #tpu.memory_space<vmem>>
        %dma_start3A_309 = tpu.memref_squeeze %dma_start3A_308 : memref<1x128xi32, #tpu.memory_space<vmem>> -> memref<128xi32, #tpu.memory_space<vmem>>
        %dma_start3A_310 = arith.constant 0 : i32
        %dma_start3A_311 = arith.constant 0 : i32
        %dma_start3A_312 = tpu.memref_slice %arg3[%dma_start3A_310, %dma_start3A_311] : memref<400001x128xf32, #tpu.memory_space<hbm>> -> memref<400001x128xf32, #tpu.memory_space<hbm>>
        tpu.enqueue_indirect_dma source(%dma_start3A_312 : memref<400001x128xf32, #tpu.memory_space<hbm>>) target(%dma_start3A_306 : memref<128x128xf32, #tpu.memory_space<vmem>>) offsets(%dma_start3A_309 : memref<128xi32, #tpu.memory_space<vmem>>) semaphore(%arg7 : memref<!tpu.dma_semaphore, #tpu.memory_space<semaphore_mem>>)
      } else {
      }
      %dma_wait3A_231 = arith.constant 3 : i32
      %dma_wait3A_232 = arith.constant 0 : i32
      %dma_wait3A_233 = arith.constant 0 : i32
      %dma_wait3A_234 = tpu.memref_slice %arg6[%dma_wait3A_231, %dma_wait3A_232, %dma_wait3A_233] : memref<5x128x128xf32, #tpu.memory_space<vmem>> -> memref<1x128x128xf32, #tpu.memory_space<vmem>>
      %dma_wait3A_235 = tpu.memref_squeeze %dma_wait3A_234 : memref<1x128x128xf32, #tpu.memory_space<vmem>> -> memref<128x128xf32, #tpu.memory_space<vmem>>
      %dma_wait3A_236 = arith.constant 0 : i32
      %dma_wait3A_237 = tpu.memref_slice %arg5[%add3A_225, %dma_wait3A_236] : memref<200x128xi32, #tpu.memory_space<vmem>> -> memref<1x128xi32, #tpu.memory_space<vmem>>
      %dma_wait3A_238 = tpu.memref_squeeze %dma_wait3A_237 : memref<1x128xi32, #tpu.memory_space<vmem>> -> memref<128xi32, #tpu.memory_space<vmem>>
      %dma_wait3A_239 = arith.constant 0 : i32
      %dma_wait3A_240 = arith.constant 0 : i32
      %dma_wait3A_241 = tpu.memref_slice %arg3[%dma_wait3A_239, %dma_wait3A_240] : memref<400001x128xf32, #tpu.memory_space<hbm>> -> memref<400001x128xf32, #tpu.memory_space<hbm>>
      tpu.wait_indirect_dma semaphore(%arg10 : memref<!tpu.dma_semaphore, #tpu.memory_space<semaphore_mem>>) src(%dma_wait3A_241 : memref<400001x128xf32, #tpu.memory_space<hbm>>) dst(%dma_wait3A_235 : memref<128x128xf32, #tpu.memory_space<vmem>>)
      %mul3A_242 = arith.constant 128 : i32
      %mul3A_243 = arith.muli %add3A_225, %mul3A_242 : i32
      %dma_start3A_244 = arith.constant 3 : i32
      %dma_start3A_245 = arith.constant 0 : i32
      %dma_start3A_246 = arith.constant 0 : i32
      %dma_start3A_247 = tpu.memref_slice %arg6[%dma_start3A_244, %dma_start3A_245, %dma_start3A_246] : memref<5x128x128xf32, #tpu.memory_space<vmem>> -> memref<1x128x128xf32, #tpu.memory_space<vmem>>
      %dma_start3A_248 = tpu.memref_squeeze %dma_start3A_247 : memref<1x128x128xf32, #tpu.memory_space<vmem>> -> memref<128x128xf32, #tpu.memory_space<vmem>>
      %dma_start3A_249 = arith.constant 0 : i32
      %dma_start3A_250 = tpu.memref_slice %arg4[%add3A, %mul3A_243, %dma_start3A_249] : memref<32x25600x128xf32, #tpu.memory_space<hbm>> -> memref<1x128x128xf32, #tpu.memory_space<hbm>>
      %dma_start3A_251 = tpu.memref_squeeze %dma_start3A_250 : memref<1x128x128xf32, #tpu.memory_space<hbm>> -> memref<128x128xf32, #tpu.memory_space<hbm>>
      %dma_start3A_252 = arith.constant 0 : i32
      %dma_start3A_253 = tpu.memref_slice %arg4[%add3A, %mul3A_243, %dma_start3A_252] : memref<32x25600x128xf32, #tpu.memory_space<hbm>> -> memref<1x128x128xf32, #tpu.memory_space<hbm>>
      %dma_start3A_254 = tpu.memref_squeeze %dma_start3A_253 : memref<1x128x128xf32, #tpu.memory_space<hbm>> -> memref<128x128xf32, #tpu.memory_space<hbm>>
      %dma_start3A_255 = arith.constant 0 : i32
      %dma_start3A_256 = arith.constant 0 : i32
      %dma_start3A_257 = tpu.memref_slice %arg6[%dma_start3A_244, %dma_start3A_255, %dma_start3A_256] : memref<5x128x128xf32, #tpu.memory_space<vmem>> -> memref<1x128x128xf32, #tpu.memory_space<vmem>>
      %dma_start3A_258 = tpu.memref_squeeze %dma_start3A_257 : memref<1x128x128xf32, #tpu.memory_space<vmem>> -> memref<128x128xf32, #tpu.memory_space<vmem>>
      tpu.enqueue_dma source(%dma_start3A_258 : memref<128x128xf32, #tpu.memory_space<vmem>>) target(%dma_start3A_254 : memref<128x128xf32, #tpu.memory_space<hbm>>) target_semaphore(%arg15 : memref<!tpu.dma_semaphore, #tpu.memory_space<semaphore_mem>>)
      %mul3A_259 = arith.constant 5 : i32
      %mul3A_260 = arith.muli %scan3A_113, %mul3A_259 : i32
      %add3A_261 = arith.constant 4 : i32
      %add3A_262 = arith.addi %mul3A_260, %add3A_261 : i32
      %lt3A_263 = arith.constant 198 : i32
      %lt3A_264 = arith.cmpi slt, %add3A_262, %lt3A_263 : i32
      %convert_element_type3A_265 = arith.extui %lt3A_264 : i1 to i32
      %cond3A_266 = arith.constant 0 : i32
      %cond3A_267 = arith.cmpi ne, %convert_element_type3A_265, %cond3A_266 : i32
      scf.if %cond3A_267 {
        %ge3A = arith.constant 3 : i32
        %ge3A_296 = arith.cmpi sge, %add3A_262, %ge3A : i32
        %convert_element_type3A_297 = arith.extui %ge3A_296 : i1 to i32
        %cond3A_298 = arith.constant 0 : i32
        %cond3A_299 = arith.cmpi ne, %convert_element_type3A_297, %cond3A_298 : i32
        scf.if %cond3A_299 {
          %add3A_313 = arith.constant 2 : i32
          %add3A_314 = arith.addi %add3A_262, %add3A_313 : i32
          %sub3A = arith.constant 5 : i32
          %sub3A_315 = arith.subi %add3A_314, %sub3A : i32
          %mul3A_316 = arith.constant 128 : i32
          %mul3A_317 = arith.muli %sub3A_315, %mul3A_316 : i32
          %dma_wait3A_318 = arith.constant 1 : i32
          %dma_wait3A_319 = arith.constant 0 : i32
          %dma_wait3A_320 = arith.constant 0 : i32
          %dma_wait3A_321 = tpu.memref_slice %arg6[%dma_wait3A_318, %dma_wait3A_319, %dma_wait3A_320] : memref<5x128x128xf32, #tpu.memory_space<vmem>> -> memref<1x128x128xf32, #tpu.memory_space<vmem>>
          %dma_wait3A_322 = tpu.memref_squeeze %dma_wait3A_321 : memref<1x128x128xf32, #tpu.memory_space<vmem>> -> memref<128x128xf32, #tpu.memory_space<vmem>>
          %dma_wait3A_323 = arith.constant 0 : i32
          %dma_wait3A_324 = tpu.memref_slice %arg4[%add3A, %mul3A_317, %dma_wait3A_323] : memref<32x25600x128xf32, #tpu.memory_space<hbm>> -> memref<1x128x128xf32, #tpu.memory_space<hbm>>
          %dma_wait3A_325 = tpu.memref_squeeze %dma_wait3A_324 : memref<1x128x128xf32, #tpu.memory_space<hbm>> -> memref<128x128xf32, #tpu.memory_space<hbm>>
          %dma_wait3A_326 = arith.constant 0 : i32
          %dma_wait3A_327 = tpu.memref_slice %arg4[%add3A, %mul3A_317, %dma_wait3A_326] : memref<32x25600x128xf32, #tpu.memory_space<hbm>> -> memref<1x128x128xf32, #tpu.memory_space<hbm>>
          %dma_wait3A_328 = tpu.memref_squeeze %dma_wait3A_327 : memref<1x128x128xf32, #tpu.memory_space<hbm>> -> memref<128x128xf32, #tpu.memory_space<hbm>>
          %dma_wait3A_329 = arith.constant 0 : i32
          %dma_wait3A_330 = arith.constant 0 : i32
          %dma_wait3A_331 = tpu.memref_slice %arg6[%dma_wait3A_318, %dma_wait3A_329, %dma_wait3A_330] : memref<5x128x128xf32, #tpu.memory_space<vmem>> -> memref<1x128x128xf32, #tpu.memory_space<vmem>>
          %dma_wait3A_332 = tpu.memref_squeeze %dma_wait3A_331 : memref<1x128x128xf32, #tpu.memory_space<vmem>> -> memref<128x128xf32, #tpu.memory_space<vmem>>
          tpu.wait_dma2 semaphore(%arg13 : memref<!tpu.dma_semaphore, #tpu.memory_space<semaphore_mem>>) src(%dma_wait3A_332 : memref<128x128xf32, #tpu.memory_space<vmem>>) dst(%dma_wait3A_328 : memref<128x128xf32, #tpu.memory_space<hbm>>)
        } else {
        }
        %add3A_300 = arith.constant 2 : i32
        %add3A_301 = arith.addi %add3A_262, %add3A_300 : i32
        %dma_start3A_302 = arith.constant 1 : i32
        %dma_start3A_303 = arith.constant 0 : i32
        %dma_start3A_304 = arith.constant 0 : i32
        %dma_start3A_305 = tpu.memref_slice %arg6[%dma_start3A_302, %dma_start3A_303, %dma_start3A_304] : memref<5x128x128xf32, #tpu.memory_space<vmem>> -> memref<1x128x128xf32, #tpu.memory_space<vmem>>
        %dma_start3A_306 = tpu.memref_squeeze %dma_start3A_305 : memref<1x128x128xf32, #tpu.memory_space<vmem>> -> memref<128x128xf32, #tpu.memory_space<vmem>>
        %dma_start3A_307 = arith.constant 0 : i32
        %dma_start3A_308 = tpu.memref_slice %arg5[%add3A_301, %dma_start3A_307] : memref<200x128xi32, #tpu.memory_space<vmem>> -> memref<1x128xi32, #tpu.memory_space<vmem>>
        %dma_start3A_309 = tpu.memref_squeeze %dma_start3A_308 : memref<1x128xi32, #tpu.memory_space<vmem>> -> memref<128xi32, #tpu.memory_space<vmem>>
        %dma_start3A_310 = arith.constant 0 : i32
        %dma_start3A_311 = arith.constant 0 : i32
        %dma_start3A_312 = tpu.memref_slice %arg3[%dma_start3A_310, %dma_start3A_311] : memref<400001x128xf32, #tpu.memory_space<hbm>> -> memref<400001x128xf32, #tpu.memory_space<hbm>>
        tpu.enqueue_indirect_dma source(%dma_start3A_312 : memref<400001x128xf32, #tpu.memory_space<hbm>>) target(%dma_start3A_306 : memref<128x128xf32, #tpu.memory_space<vmem>>) offsets(%dma_start3A_309 : memref<128xi32, #tpu.memory_space<vmem>>) semaphore(%arg8 : memref<!tpu.dma_semaphore, #tpu.memory_space<semaphore_mem>>)
      } else {
      }
      %dma_wait3A_268 = arith.constant 4 : i32
      %dma_wait3A_269 = arith.constant 0 : i32
      %dma_wait3A_270 = arith.constant 0 : i32
      %dma_wait3A_271 = tpu.memref_slice %arg6[%dma_wait3A_268, %dma_wait3A_269, %dma_wait3A_270] : memref<5x128x128xf32, #tpu.memory_space<vmem>> -> memref<1x128x128xf32, #tpu.memory_space<vmem>>
      %dma_wait3A_272 = tpu.memref_squeeze %dma_wait3A_271 : memref<1x128x128xf32, #tpu.memory_space<vmem>> -> memref<128x128xf32, #tpu.memory_space<vmem>>
      %dma_wait3A_273 = arith.constant 0 : i32
      %dma_wait3A_274 = tpu.memref_slice %arg5[%add3A_262, %dma_wait3A_273] : memref<200x128xi32, #tpu.memory_space<vmem>> -> memref<1x128xi32, #tpu.memory_space<vmem>>
      %dma_wait3A_275 = tpu.memref_squeeze %dma_wait3A_274 : memref<1x128xi32, #tpu.memory_space<vmem>> -> memref<128xi32, #tpu.memory_space<vmem>>
      %dma_wait3A_276 = arith.constant 0 : i32
      %dma_wait3A_277 = arith.constant 0 : i32
      %dma_wait3A_278 = tpu.memref_slice %arg3[%dma_wait3A_276, %dma_wait3A_277] : memref<400001x128xf32, #tpu.memory_space<hbm>> -> memref<400001x128xf32, #tpu.memory_space<hbm>>
      tpu.wait_indirect_dma semaphore(%arg11 : memref<!tpu.dma_semaphore, #tpu.memory_space<semaphore_mem>>) src(%dma_wait3A_278 : memref<400001x128xf32, #tpu.memory_space<hbm>>) dst(%dma_wait3A_272 : memref<128x128xf32, #tpu.memory_space<vmem>>)
      %mul3A_279 = arith.constant 128 : i32
      %mul3A_280 = arith.muli %add3A_262, %mul3A_279 : i32
      %dma_start3A_281 = arith.constant 4 : i32
      %dma_start3A_282 = arith.constant 0 : i32
      %dma_start3A_283 = arith.constant 0 : i32
      %dma_start3A_284 = tpu.memref_slice %arg6[%dma_start3A_281, %dma_start3A_282, %dma_start3A_283] : memref<5x128x128xf32, #tpu.memory_space<vmem>> -> memref<1x128x128xf32, #tpu.memory_space<vmem>>
      %dma_start3A_285 = tpu.memref_squeeze %dma_start3A_284 : memref<1x128x128xf32, #tpu.memory_space<vmem>> -> memref<128x128xf32, #tpu.memory_space<vmem>>
      %dma_start3A_286 = arith.constant 0 : i32
      %dma_start3A_287 = tpu.memref_slice %arg4[%add3A, %mul3A_280, %dma_start3A_286] : memref<32x25600x128xf32, #tpu.memory_space<hbm>> -> memref<1x128x128xf32, #tpu.memory_space<hbm>>
      %dma_start3A_288 = tpu.memref_squeeze %dma_start3A_287 : memref<1x128x128xf32, #tpu.memory_space<hbm>> -> memref<128x128xf32, #tpu.memory_space<hbm>>
      %dma_start3A_289 = arith.constant 0 : i32
      %dma_start3A_290 = tpu.memref_slice %arg4[%add3A, %mul3A_280, %dma_start3A_289] : memref<32x25600x128xf32, #tpu.memory_space<hbm>> -> memref<1x128x128xf32, #tpu.memory_space<hbm>>
      %dma_start3A_291 = tpu.memref_squeeze %dma_start3A_290 : memref<1x128x128xf32, #tpu.memory_space<hbm>> -> memref<128x128xf32, #tpu.memory_space<hbm>>
      %dma_start3A_292 = arith.constant 0 : i32
      %dma_start3A_293 = arith.constant 0 : i32
      %dma_start3A_294 = tpu.memref_slice %arg6[%dma_start3A_281, %dma_start3A_292, %dma_start3A_293] : memref<5x128x128xf32, #tpu.memory_space<vmem>> -> memref<1x128x128xf32, #tpu.memory_space<vmem>>
      %dma_start3A_295 = tpu.memref_squeeze %dma_start3A_294 : memref<1x128x128xf32, #tpu.memory_space<vmem>> -> memref<128x128xf32, #tpu.memory_space<vmem>>
      tpu.enqueue_dma source(%dma_start3A_295 : memref<128x128xf32, #tpu.memory_space<vmem>>) target(%dma_start3A_291 : memref<128x128xf32, #tpu.memory_space<hbm>>) target_semaphore(%arg16 : memref<!tpu.dma_semaphore, #tpu.memory_space<semaphore_mem>>)
    }
    %scan3A_28 = arith.constant 40 : i32
    %dma_wait3A = arith.constant 0 : i32
    %dma_wait3A_29 = arith.constant 0 : i32
    %dma_wait3A_30 = arith.constant 0 : i32
    %dma_wait3A_31 = tpu.memref_slice %arg6[%dma_wait3A, %dma_wait3A_29, %dma_wait3A_30] : memref<5x128x128xf32, #tpu.memory_space<vmem>> -> memref<1x128x128xf32, #tpu.memory_space<vmem>>
    %dma_wait3A_32 = tpu.memref_squeeze %dma_wait3A_31 : memref<1x128x128xf32, #tpu.memory_space<vmem>> -> memref<128x128xf32, #tpu.memory_space<vmem>>
    %dma_wait3A_33 = arith.constant 24960 : i32
    %dma_wait3A_34 = arith.constant 0 : i32
    %dma_wait3A_35 = tpu.memref_slice %arg4[%add3A, %dma_wait3A_33, %dma_wait3A_34] : memref<32x25600x128xf32, #tpu.memory_space<hbm>> -> memref<1x128x128xf32, #tpu.memory_space<hbm>>
    %dma_wait3A_36 = tpu.memref_squeeze %dma_wait3A_35 : memref<1x128x128xf32, #tpu.memory_space<hbm>> -> memref<128x128xf32, #tpu.memory_space<hbm>>
    %dma_wait3A_37 = arith.constant 24960 : i32
    %dma_wait3A_38 = arith.constant 0 : i32
    %dma_wait3A_39 = tpu.memref_slice %arg4[%add3A, %dma_wait3A_37, %dma_wait3A_38] : memref<32x25600x128xf32, #tpu.memory_space<hbm>> -> memref<1x128x128xf32, #tpu.memory_space<hbm>>
    %dma_wait3A_40 = tpu.memref_squeeze %dma_wait3A_39 : memref<1x128x128xf32, #tpu.memory_space<hbm>> -> memref<128x128xf32, #tpu.memory_space<hbm>>
    %dma_wait3A_41 = arith.constant 0 : i32
    %dma_wait3A_42 = arith.constant 0 : i32
    %dma_wait3A_43 = tpu.memref_slice %arg6[%dma_wait3A, %dma_wait3A_41, %dma_wait3A_42] : memref<5x128x128xf32, #tpu.memory_space<vmem>> -> memref<1x128x128xf32, #tpu.memory_space<vmem>>
    %dma_wait3A_44 = tpu.memref_squeeze %dma_wait3A_43 : memref<1x128x128xf32, #tpu.memory_space<vmem>> -> memref<128x128xf32, #tpu.memory_space<vmem>>
    tpu.wait_dma2 semaphore(%arg12 : memref<!tpu.dma_semaphore, #tpu.memory_space<semaphore_mem>>) src(%dma_wait3A_44 : memref<128x128xf32, #tpu.memory_space<vmem>>) dst(%dma_wait3A_40 : memref<128x128xf32, #tpu.memory_space<hbm>>)
    %dma_wait3A_45 = arith.constant 1 : i32
    %dma_wait3A_46 = arith.constant 0 : i32
    %dma_wait3A_47 = arith.constant 0 : i32
    %dma_wait3A_48 = tpu.memref_slice %arg6[%dma_wait3A_45, %dma_wait3A_46, %dma_wait3A_47] : memref<5x128x128xf32, #tpu.memory_space<vmem>> -> memref<1x128x128xf32, #tpu.memory_space<vmem>>
    %dma_wait3A_49 = tpu.memref_squeeze %dma_wait3A_48 : memref<1x128x128xf32, #tpu.memory_space<vmem>> -> memref<128x128xf32, #tpu.memory_space<vmem>>
    %dma_wait3A_50 = arith.constant 25088 : i32
    %dma_wait3A_51 = arith.constant 0 : i32
    %dma_wait3A_52 = tpu.memref_slice %arg4[%add3A, %dma_wait3A_50, %dma_wait3A_51] : memref<32x25600x128xf32, #tpu.memory_space<hbm>> -> memref<1x128x128xf32, #tpu.memory_space<hbm>>
    %dma_wait3A_53 = tpu.memref_squeeze %dma_wait3A_52 : memref<1x128x128xf32, #tpu.memory_space<hbm>> -> memref<128x128xf32, #tpu.memory_space<hbm>>
    %dma_wait3A_54 = arith.constant 25088 : i32
    %dma_wait3A_55 = arith.constant 0 : i32
    %dma_wait3A_56 = tpu.memref_slice %arg4[%add3A, %dma_wait3A_54, %dma_wait3A_55] : memref<32x25600x128xf32, #tpu.memory_space<hbm>> -> memref<1x128x128xf32, #tpu.memory_space<hbm>>
    %dma_wait3A_57 = tpu.memref_squeeze %dma_wait3A_56 : memref<1x128x128xf32, #tpu.memory_space<hbm>> -> memref<128x128xf32, #tpu.memory_space<hbm>>
    %dma_wait3A_58 = arith.constant 0 : i32
    %dma_wait3A_59 = arith.constant 0 : i32
    %dma_wait3A_60 = tpu.memref_slice %arg6[%dma_wait3A_45, %dma_wait3A_58, %dma_wait3A_59] : memref<5x128x128xf32, #tpu.memory_space<vmem>> -> memref<1x128x128xf32, #tpu.memory_space<vmem>>
    %dma_wait3A_61 = tpu.memref_squeeze %dma_wait3A_60 : memref<1x128x128xf32, #tpu.memory_space<vmem>> -> memref<128x128xf32, #tpu.memory_space<vmem>>
    tpu.wait_dma2 semaphore(%arg13 : memref<!tpu.dma_semaphore, #tpu.memory_space<semaphore_mem>>) src(%dma_wait3A_61 : memref<128x128xf32, #tpu.memory_space<vmem>>) dst(%dma_wait3A_57 : memref<128x128xf32, #tpu.memory_space<hbm>>)
    %dma_wait3A_62 = arith.constant 2 : i32
    %dma_wait3A_63 = arith.constant 0 : i32
    %dma_wait3A_64 = arith.constant 0 : i32
    %dma_wait3A_65 = tpu.memref_slice %arg6[%dma_wait3A_62, %dma_wait3A_63, %dma_wait3A_64] : memref<5x128x128xf32, #tpu.memory_space<vmem>> -> memref<1x128x128xf32, #tpu.memory_space<vmem>>
    %dma_wait3A_66 = tpu.memref_squeeze %dma_wait3A_65 : memref<1x128x128xf32, #tpu.memory_space<vmem>> -> memref<128x128xf32, #tpu.memory_space<vmem>>
    %dma_wait3A_67 = arith.constant 25216 : i32
    %dma_wait3A_68 = arith.constant 0 : i32
    %dma_wait3A_69 = tpu.memref_slice %arg4[%add3A, %dma_wait3A_67, %dma_wait3A_68] : memref<32x25600x128xf32, #tpu.memory_space<hbm>> -> memref<1x128x128xf32, #tpu.memory_space<hbm>>
    %dma_wait3A_70 = tpu.memref_squeeze %dma_wait3A_69 : memref<1x128x128xf32, #tpu.memory_space<hbm>> -> memref<128x128xf32, #tpu.memory_space<hbm>>
    %dma_wait3A_71 = arith.constant 25216 : i32
    %dma_wait3A_72 = arith.constant 0 : i32
    %dma_wait3A_73 = tpu.memref_slice %arg4[%add3A, %dma_wait3A_71, %dma_wait3A_72] : memref<32x25600x128xf32, #tpu.memory_space<hbm>> -> memref<1x128x128xf32, #tpu.memory_space<hbm>>
    %dma_wait3A_74 = tpu.memref_squeeze %dma_wait3A_73 : memref<1x128x128xf32, #tpu.memory_space<hbm>> -> memref<128x128xf32, #tpu.memory_space<hbm>>
    %dma_wait3A_75 = arith.constant 0 : i32
    %dma_wait3A_76 = arith.constant 0 : i32
    %dma_wait3A_77 = tpu.memref_slice %arg6[%dma_wait3A_62, %dma_wait3A_75, %dma_wait3A_76] : memref<5x128x128xf32, #tpu.memory_space<vmem>> -> memref<1x128x128xf32, #tpu.memory_space<vmem>>
    %dma_wait3A_78 = tpu.memref_squeeze %dma_wait3A_77 : memref<1x128x128xf32, #tpu.memory_space<vmem>> -> memref<128x128xf32, #tpu.memory_space<vmem>>
    tpu.wait_dma2 semaphore(%arg14 : memref<!tpu.dma_semaphore, #tpu.memory_space<semaphore_mem>>) src(%dma_wait3A_78 : memref<128x128xf32, #tpu.memory_space<vmem>>) dst(%dma_wait3A_74 : memref<128x128xf32, #tpu.memory_space<hbm>>)
    %dma_wait3A_79 = arith.constant 3 : i32
    %dma_wait3A_80 = arith.constant 0 : i32
    %dma_wait3A_81 = arith.constant 0 : i32
    %dma_wait3A_82 = tpu.memref_slice %arg6[%dma_wait3A_79, %dma_wait3A_80, %dma_wait3A_81] : memref<5x128x128xf32, #tpu.memory_space<vmem>> -> memref<1x128x128xf32, #tpu.memory_space<vmem>>
    %dma_wait3A_83 = tpu.memref_squeeze %dma_wait3A_82 : memref<1x128x128xf32, #tpu.memory_space<vmem>> -> memref<128x128xf32, #tpu.memory_space<vmem>>
    %dma_wait3A_84 = arith.constant 25344 : i32
    %dma_wait3A_85 = arith.constant 0 : i32
    %dma_wait3A_86 = tpu.memref_slice %arg4[%add3A, %dma_wait3A_84, %dma_wait3A_85] : memref<32x25600x128xf32, #tpu.memory_space<hbm>> -> memref<1x128x128xf32, #tpu.memory_space<hbm>>
    %dma_wait3A_87 = tpu.memref_squeeze %dma_wait3A_86 : memref<1x128x128xf32, #tpu.memory_space<hbm>> -> memref<128x128xf32, #tpu.memory_space<hbm>>
    %dma_wait3A_88 = arith.constant 25344 : i32
    %dma_wait3A_89 = arith.constant 0 : i32
    %dma_wait3A_90 = tpu.memref_slice %arg4[%add3A, %dma_wait3A_88, %dma_wait3A_89] : memref<32x25600x128xf32, #tpu.memory_space<hbm>> -> memref<1x128x128xf32, #tpu.memory_space<hbm>>
    %dma_wait3A_91 = tpu.memref_squeeze %dma_wait3A_90 : memref<1x128x128xf32, #tpu.memory_space<hbm>> -> memref<128x128xf32, #tpu.memory_space<hbm>>
    %dma_wait3A_92 = arith.constant 0 : i32
    %dma_wait3A_93 = arith.constant 0 : i32
    %dma_wait3A_94 = tpu.memref_slice %arg6[%dma_wait3A_79, %dma_wait3A_92, %dma_wait3A_93] : memref<5x128x128xf32, #tpu.memory_space<vmem>> -> memref<1x128x128xf32, #tpu.memory_space<vmem>>
    %dma_wait3A_95 = tpu.memref_squeeze %dma_wait3A_94 : memref<1x128x128xf32, #tpu.memory_space<vmem>> -> memref<128x128xf32, #tpu.memory_space<vmem>>
    tpu.wait_dma2 semaphore(%arg15 : memref<!tpu.dma_semaphore, #tpu.memory_space<semaphore_mem>>) src(%dma_wait3A_95 : memref<128x128xf32, #tpu.memory_space<vmem>>) dst(%dma_wait3A_91 : memref<128x128xf32, #tpu.memory_space<hbm>>)
    %dma_wait3A_96 = arith.constant 4 : i32
    %dma_wait3A_97 = arith.constant 0 : i32
    %dma_wait3A_98 = arith.constant 0 : i32
    %dma_wait3A_99 = tpu.memref_slice %arg6[%dma_wait3A_96, %dma_wait3A_97, %dma_wait3A_98] : memref<5x128x128xf32, #tpu.memory_space<vmem>> -> memref<1x128x128xf32, #tpu.memory_space<vmem>>
    %dma_wait3A_100 = tpu.memref_squeeze %dma_wait3A_99 : memref<1x128x128xf32, #tpu.memory_space<vmem>> -> memref<128x128xf32, #tpu.memory_space<vmem>>
    %dma_wait3A_101 = arith.constant 25472 : i32
    %dma_wait3A_102 = arith.constant 0 : i32
    %dma_wait3A_103 = tpu.memref_slice %arg4[%add3A, %dma_wait3A_101, %dma_wait3A_102] : memref<32x25600x128xf32, #tpu.memory_space<hbm>> -> memref<1x128x128xf32, #tpu.memory_space<hbm>>
    %dma_wait3A_104 = tpu.memref_squeeze %dma_wait3A_103 : memref<1x128x128xf32, #tpu.memory_space<hbm>> -> memref<128x128xf32, #tpu.memory_space<hbm>>
    %dma_wait3A_105 = arith.constant 25472 : i32
    %dma_wait3A_106 = arith.constant 0 : i32
    %dma_wait3A_107 = tpu.memref_slice %arg4[%add3A, %dma_wait3A_105, %dma_wait3A_106] : memref<32x25600x128xf32, #tpu.memory_space<hbm>> -> memref<1x128x128xf32, #tpu.memory_space<hbm>>
    %dma_wait3A_108 = tpu.memref_squeeze %dma_wait3A_107 : memref<1x128x128xf32, #tpu.memory_space<hbm>> -> memref<128x128xf32, #tpu.memory_space<hbm>>
    %dma_wait3A_109 = arith.constant 0 : i32
    %dma_wait3A_110 = arith.constant 0 : i32
    %dma_wait3A_111 = tpu.memref_slice %arg6[%dma_wait3A_96, %dma_wait3A_109, %dma_wait3A_110] : memref<5x128x128xf32, #tpu.memory_space<vmem>> -> memref<1x128x128xf32, #tpu.memory_space<vmem>>
    %dma_wait3A_112 = tpu.memref_squeeze %dma_wait3A_111 : memref<1x128x128xf32, #tpu.memory_space<vmem>> -> memref<128x128xf32, #tpu.memory_space<vmem>>
    tpu.wait_dma2 semaphore(%arg16 : memref<!tpu.dma_semaphore, #tpu.memory_space<semaphore_mem>>) src(%dma_wait3A_112 : memref<128x128xf32, #tpu.memory_space<vmem>>) dst(%dma_wait3A_108 : memref<128x128xf32, #tpu.memory_space<hbm>>)
    return
  }
}

</mosaic_0001>

<sc_bundles>
// kernel: kernel.3.cloned.1.call-start
scs
__scs_entry_jumppad:
0x0: {  	(pc) =	sbr.rel $0x88, $3  }
0x1: {  	(tag) =	ssettag $0x0;
	lr =	simm.s32 $0x1  }
0x2: {  	[smem:$0x3F9F] =	sst lr;
	_ =	strace $0xD0000000  }
0x3: {  	_ = 	snop  }
0x4: {  	_ = 	snop  }
0x5: {  	_ = 	snop  }
0x6: {  	_ = 	snop  }
0x7: {  	_ = 	snop  }
__scs_overlays_trampoline_lowered:
0x8: {  	[smem:$0x3FAE] =	sst s0  }
0x9: {  	[smem:$0x3FAF] =	sst s1  }
0xa: {  	[smem:$0x3FB0] =	sst s2  }
0xb: {  	[smem:$0x3FB1] =	sst s3  }
0xc: {  	[smem:$0x3FB2] =	sst s4  }
0xd: {  	[smem:$0x3FB3] =	sst s5  }
0xe: {  	[smem:$0x3FB4] =	sst s6  }
0xf: {  	[smem:$0x3FB5] =	sst s7  }
0x10: {  	[smem:$0x3FB6] =	sst s8  }
0x11: {  	[smem:$0x3FB7] =	sst s9;
	s0 =	simm.s32 @!p0 $0x0  }
0x12: {  	s1 =	sld [smem:$0x3F9D];
	s0 =	simm.s32 @p0 $0x1  }
0x13: {  	[smem:$0x3FB8] =	sst s0;
	s0 =	simm.s32 @!p1 $0x0  }
0x14: {  	s2 =	sld [smem:$0x3F9C];
	s0 =	simm.s32 @p1 $0x1  }
0x15: {  	[smem:$0x3FB9] =	sst s0;
	s0 =	simm.s32 @!p2 $0x0  }
0x16: {  	s3 =	sld [smem:$0x3FDB];
	s0 =	simm.s32 @p2 $0x1  }
0x17: {  	s4 =	simm.s32 $0x1BF5;
	[smem:$0x3FBB] =	sst s0  }
0x18: {  	s0 =	sld [smem:$0x3F9E];
	_ =	swait.ge [sflag:s4], $0x0  }
0x19: {  	s7 =	sld [smem:$0x3F9F]  }
0x1a: {  	s8 =	sadd.s32 $0xFFFFE003, lr  }
0x1b: {  	s9 =	sadd.s32 $0xFFFFFEF7, lr;
	s5 =	simm.s32 $0xFFFFFFFF;
	p2 =	slt.u32 s8, $0xFFFFF086  }
0x1c: {  	p1 =	slt.u32 s9, $0xF7A;
	s5 =	simm.s32 @!p2 $0x0  }
0x1d: {  	s5 =	simm.s32 @p1 $0x1;
	p0 =	seq.s32 s7, s2  }
0x1e: {  	s7 =	smul.u32 @!p0 $0xF7A, s2;
	p2 =	seq.s32 @!p0 s5, $0x0  }
0x1f: {  	s9 =	smul.u32 $0xF7A, s1;
	s8 =	simm.s32 @!p0 $0x1BF5;
	p2 =	por !p2, p0  }
0x20: {  	[sflag:s8] =	ssyncset.s32 @!p0 $0xFFFFF086;
	s6 =	sadd.s32 @!p0 s3, s7;
	s7 =	simm.s32 @!p0 $0x108  }
0x21: {  	s3 =	sadd.s32 s3, s9;
	s6 =	sadd.s32 @!p0 $0x88, s6;
	s7 =	simm.s32 @p2 $0x1082  }
0x22: {  	[simem:s7], [sflag:s8] =	dma.local @!p0 [hbm:s6], $0xF7A  }
0x23: {  	s9 =	sor.u32 $0xD0000000, s2;
	s6 =	simm.s32 $0x108;
	_ =	swait.ge @!p0 [sflag:s8], $0x0  }
0x24: {  	s3 =	sadd.s32 $0x88, s3;
	s6 =	simm.s32 @!p1 $0x1082;
	[sflag:s4] =	ssyncset.s32 $0xFFFFF086  }
0x25: {  	[simem:s6], [sflag:s4] =	dma.local [hbm:s3], $0xF7A  }
0x26: {  	[smem:$0x3F9F] =	sst s1;
	(tag) =	ssettag s2;
	_ =	strace s9  }
0x27: {  	s1 =	sld [smem:$0x3FAF]  }
0x28: {  	s2 =	sld [smem:$0x3FB0]  }
0x29: {  	s4 =	sld [smem:$0x3FB2]  }
0x2a: {  	p0 =	seq.s32 s5, $0x0;
	s5 =	sld [smem:$0x3FB3]  }
0x2b: {  	s6 =	sld [smem:$0x3FB4]  }
0x2c: {  	s7 =	sld [smem:$0x3FB5]  }
0x2d: {  	s3 =	simm.s32 $0x108;
	s8 =	sld [smem:$0x3FB6]  }
0x2e: {  	s3 =	simm.s32 @!p0 $0x1082;
	s9 =	sld [smem:$0x3FB7]  }
0x2f: {  	lr =	sadd.s32 s0, s3;
	s0 =	sld [smem:$0x3FAE]  }
0x30: {  	s3 =	sld [smem:$0x3FB1]  }
0x31: {  	[smem:$0x3FBA] =	sst s10  }
0x32: {  	s10 =	sld [smem:$0x3FB8];
	_ =	sdelay $0x3  }
0x33: {  	p0 =	seq.s32 s10, $0x1;
	s10 =	sld [smem:$0x3FBA];
	_ =	sdelay $0x3  }
0x34: {  	[smem:$0x3FBA] =	sst s10  }
0x35: {  	s10 =	sld [smem:$0x3FB9];
	_ =	sdelay $0x3  }
0x36: {  	p1 =	seq.s32 s10, $0x1;
	s10 =	sld [smem:$0x3FBA];
	_ =	sdelay $0x3  }
0x37: {  	[smem:$0x3FBA] =	sst s10  }
0x38: {  	s10 =	sld [smem:$0x3FBB]  }
0x39: {  	_ = 	snop;
	(pc) =	sbr.ind lr, $3  }
0x3a: {  	_ = 	snop  }
0x3b: {  	_ = 	snop  }
0x3c: {  	p2 =	seq.s32 s10, $0x1;
	s10 =	sld [smem:$0x3FBA]  }
0x3d: {  	_ =	shalt  }
0x3e: {  	_ =	shalt  }
0x3f: {  	_ =	shalt  }
0x40: {  	_ =	shalt  }
0x41: {  	_ =	shalt  }
0x42: {  	_ =	shalt  }
0x43: {  	_ =	shalt  }
0x44: {  	_ =	shalt  }
0x45: {  	_ =	shalt  }
0x46: {  	_ =	shalt  }
0x47: {  	_ =	shalt  }
0x48: {  	_ =	shalt  }
0x49: {  	_ =	shalt  }
0x4a: {  	_ =	shalt  }
0x4b: {  	_ =	shalt  }
0x4c: {  	_ =	shalt  }
0x4d: {  	_ =	shalt  }
0x4e: {  	_ =	shalt  }
0x4f: {  	_ =	shalt  }
0x50: {  	_ =	shalt  }
0x51: {  	_ =	shalt  }
0x52: {  	_ =	shalt  }
0x53: {  	_ =	shalt  }
0x54: {  	_ =	shalt  }
0x55: {  	_ =	shalt  }
0x56: {  	_ =	shalt  }
0x57: {  	_ =	shalt  }
0x58: {  	_ =	shalt  }
0x59: {  	_ =	shalt  }
0x5a: {  	_ =	shalt  }
0x5b: {  	_ =	shalt  }
0x5c: {  	_ =	shalt  }
0x5d: {  	_ =	shalt  }
0x5e: {  	_ =	shalt  }
0x5f: {  	_ =	shalt  }
0x60: {  	_ =	shalt  }
0x61: {  	_ =	shalt  }
0x62: {  	_ =	shalt  }
0x63: {  	_ =	shalt  }
0x64: {  	_ =	shalt  }
0x65: {  	_ =	shalt  }
0x66: {  	_ =	shalt  }
0x67: {  	_ =	shalt  }
0x68: {  	_ =	shalt  }
0x69: {  	_ =	shalt  }
0x6a: {  	_ =	shalt  }
0x6b: {  	_ =	shalt  }
0x6c: {  	_ =	shalt  }
0x6d: {  	_ =	shalt  }
0x6e: {  	_ =	shalt  }
0x6f: {  	_ =	shalt  }
0x70: {  	_ =	shalt  }
0x71: {  	_ =	shalt  }
0x72: {  	_ =	shalt  }
0x73: {  	_ =	shalt  }
0x74: {  	_ =	shalt  }
0x75: {  	_ =	shalt  }
0x76: {  	_ =	shalt  }
0x77: {  	_ =	shalt  }
0x78: {  	_ =	shalt  }
0x79: {  	_ =	shalt  }
0x7a: {  	_ =	shalt  }
0x7b: {  	_ =	shalt  }
0x7c: {  	_ =	shalt  }
0x7d: {  	_ =	shalt  }
0x7e: {  	_ =	shalt  }
0x7f: {  	_ =	shalt  }
0x80: {  	_ =	shalt  }
0x81: {  	_ =	shalt  }
0x82: {  	_ =	shalt  }
0x83: {  	_ =	shalt  }
0x84: {  	_ =	shalt  }
0x85: {  	_ =	shalt  }
0x86: {  	_ =	shalt  }
0x87: {  	_ =	shalt  }
.Lfunc_end0:
.L_simem_size_0:
called_computation.1_lowered:
.L_overlay_start_0:
0x88: {  	s2 =	sld [smem:$0x3FD9]  }
0x89: {  	s3 =	sld [smem:$0x3FFE];
	_ =	sdelay $0x1  }
0x8a: {  	s1 =	srdreg.scid  }
0x8b: {  	s0 =	sand.u32 $0x1, s1  }
0x8c: {  	s16 =	sshll.u32 s0, $0xA;
	s2 =	sadd.s32 s3, s2  }
0x8d: {  	s2 =	sadd.s32 s2, s16  }
0x8e: {  	[smem:$0x3FC6] =	sst s2  }
0x8f: {  	_ = 	snop  }
0x90: {  	(tm) =	ssettm $0x1  }
0x91: {  	s17 =	sld [smem:$0x3FFB];
	_ =	sdelay $0x3  }
0x92: {  	_ =	strace s17  }
0x93: {  	s2 =	sld [smem:$0x3FFC];
	_ =	sdelay $0x3  }
0x94: {  	_ =	strace s2  }
0x95: {  	s2 =	sld [smem:$0x3FFD];
	_ =	sdelay $0x3  }
0x96: {  	_ =	strace s2  }
0x97: {  	_ =	strace $0x8FFFFFFF  }
0x98: {  	s18 =	sld [smem:$0x3FDB];
	_ =	sdelay $0x1  }
0x99: {  	s19 =	simm.s32 $_scs_section_size  }
0x9a: {  	s4 =	simm.s32 $_size__tile_overlayer_lowered;
	s5 =	simm.s32 $_tile_overlayer_lowered  }
0x9b: {  	s22 =	simm.s32 $0x1BFF;
	s21 =	sshll.u32 s5, $0x1;
	s2 =	sadd.s32 s19, s18  }
0x9c: {  	s6 =	simm.s32 $0x0;
	s20 =	sshll.u32 s4, $0x1;
	s4 =	sadd.s32 s21, s2  }
0x9d: {  	[timem:s6], [sflag:s22] =	dma.local [hbm:s4], s20  }
0x9e: {  	_ =	swait.ge [sflag:s22], s20  }
0x9f: {  	s3 =	ssub.s32 $0x0, s20;
	[sflag:s22] =	ssyncset.done $0x0  }
0xa0: {  	[sflag:s22] =	ssyncadd.s32 s3;
	_ =	sdelay $0x1  }
0xa1: {  	s23 =	simm.s32 $0x1B8B  }
0xa2: {  	_ =	swait.ge [sflag:s23], $0x1  }
0xa3: {  	[sflag:s23] =	ssyncset.done $0x0  }
0xa4: {  	s25 =	simm.s32 $0x1B8E;
	s24 =	sld [smem:$0x3FFE];
	[sflag:s23] =	ssyncadd.s32 $0xFFFFFFFF  }
0xa5: {  	s26 =	simm.s32 $execute0_lowered;
	[smem:$0x3FD2] =	sst s25  }
0xa6: {  	s4 =	sshll.u32 s26, $0x1;
	_ =	strace $0x80000046;
	[dreg:$0x1] =	wrdreg $0xFFFFFFFF  }
0xa7: {  	s28 =	simm.s32 $_size_execute0_lowered;
	s2 =	sadd.s32 s2, s4;
	[dreg:$0x0] =	wrdreg $0x0  }
0xa8: {  	s4 =	sshll.u32 s28, $0x1;
	[dreg:$0x2] =	wrdreg s2  }
0xa9: {  	[dreg:$0x3] =	wrdreg s4  }
0xaa: {  	[dreg:$0x4] =	wrdreg $0xC0  }
0xab: {  	_ =	task [dreg:s6], $0x5FFFF  }
0xac: {  	[dreg:$0x1] =	wrdreg $0xFFFFFFFF  }
0xad: {  	[dreg:$0x0] =	wrdreg $0x60  }
0xae: {  	[dreg:$0x2] =	wrdreg s24  }
0xaf: {  	[dreg:$0x3] =	wrdreg $0x9  }
0xb0: {  	_ =	task.clear_ibuf [dreg:s6], $0x4FFFF;
	_ =	strace $0x90000046  }
0xb1: {  	s29 =	simm.s32 $0x9;
	_ =	strace $0x80000048  }
0xb2: {  	_ =	swait.ge [sflag:s29], $0x1  }
0xb3: {  	[sflag:s29] =	ssyncadd.s32 $0xFFFFFFFF  }
0xb4: {  	_ =	strace $0x90000048  }
0xb5: {  	_ =	sfence  }
0xb6: {  	s30 =	sld [smem:$0x0];
	_ =	sdelay $0x2  }
0xb7: {  	s31 =	sshll.u32 s1, $0xD;
	s1 =	sshrl.u32 s1, $0x2  }
0xb8: {  	s3 =	sand.u32 $0x4000, s31;
	s1 =	sadd.s32 s1, s30  }
0xb9: {  	s0 =	sor.u32 s3, s0;
	s1 =	sshll.u32 s1, $0x11  }
0xba: {  	s0 =	sor.u32 s1, s0  }
0xbb: {  	s0 =	sadd.s32 $0x8F2B, s0  }
0xbc: {  	[sflag:s0] =	ssyncadd.remote.s32 $0x1  }
0xbd: {  	_ =	sfence.sel $0xFFFF  }
0xbe: {  	[dreg:$0x0] =	wrdreg $0xFFFFFFFF;
	(pc) =	sbr.abs _section_cstart, $3  }
0xbf: {  	[dreg:$0x1] =	wrdreg $0xFFFFFFFF  }
0xc0: {  	_ =	task.clear_ibuf [dreg:s6], $0x2FFFF;
	_ =	strace $0x9FFFFFFF  }
0xc1: {  	(tm) =	ssettm $0x7FFFFFFF  }
tec
execute0_lowered:
.L_overlay_start_1:
0x0: {  	(tag) =	ssettag $0x1  }
0x1: {  	s1 =	srdreg.scid  }
0x2: {  	s0 =	stileid.u32;
	s5 =	rddreg [dreg:$0x0];
	s2 =	simm.s32 $0x0  }
0x3: {  	s12 =	simm.s32 $0x12400;
	s13 =	simm.s32 $0x16400;
	s14 =	simm.s32 $0x3  }
0x4: {  	s15 =	simm.s32 $0x5;
	s16 =	simm.s32 $0x6;
	s17 =	simm.s32 $0x7  }
0x5: {  	s18 =	simm.s32 $0x8;
	s19 =	simm.s32 $0x9;
	s20 =	simm.s32 $0xA  }
0x6: {  	s4 =	sand.u32 $0x1, s1;
	s21 =	sshll.u32 s0, $0x1;
	s7 =	smul.u32 $0x640000, s0  }
0x7: {  	[smem:$0x7FF] =	sst s2;
	s1 =	sor.u32 s4, s21;
	s8 =	smul.u32 $0x320000, s4  }
0x8: {  	s4 =	ssub.s32 $0x2, s4;
	s21 =	simm.s32 $0x0;
	s3 =	smul.u32 $0xC80, s1  }
0x9: {  	s6 =	smul.u32 $0x320000, s1;
	s1 =	rddreg [dreg:$0x1];
	_ =	strace $0x80000047  }
0xa: {  	s10 =	sshrl.u32 s4, $0x1;
	[dreg:$0x8] =	wrdreg s12;
	s12 =	simm.s32 $0x2  }
0xb: {  	s7 =	sadd.s32 s8, s7;
	s30 =	ssub.s32 s4, s10;
	s10 =	simm.s32 $0xE400  }
0xc: {  	s9 =	sadd.s32 s3, s5;
	s3 =	sadd.s32 $0x19800, s5;
	s5 =	sadd.s32 $0x634200, s5  }
0xd: {  	s6 =	sshrl.u32 s6, $0x3;
	s8 =	sor.u32 $0x10000, s7;
	s23 =	sor.u32 $0xC000, s7  }
0xe: {  	s25 =	sor.u32 $0x8000, s7;
	s11 =	sor.u32 $0x4000, s7;
	s7 =	sshrl.u32 s7, $0x3  }
0xf: {  	s6 =	sadd.s32 s5, s6;
	s8 =	sshrl.u32 s8, $0x3;
	s24 =	sshrl.u32 s23, $0x3  }
0x10: {  	s28 =	sshrl.u32 s11, $0x3;
	s31 =	sadd.s32 s7, s5;
	s4 =	sadd.s32 $0x800, s9  }
0x11: {  	s7 =	simm.s32 $0x80;
	s6 =	sadd.s32 $0x63000, s6;
	[dreg:$0x7] =	wrdreg s31  }
0x12: {  	s9 =	simm.s32 $0xA400;
	s22 =	sadd.s32 s8, s5;
	[dreg:$0x2] =	wrdreg s6  }
0x13: {  	s11 =	simm.s32 $0x1;
	s29 =	sadd.s32 s28, s5;
	[dreg:$0x3] =	wrdreg s22  }
0x14: {  	s8 =	sshrl.u32 s25, $0x3;
	s6 =	sadd.s32 s24, s5;
	[dreg:$0x6] =	wrdreg s29  }
0x15: {  	s26 =	sadd.s32 s8, s5;
	s5 =	smax.u32 s30, $0x1;
	[dreg:$0x4] =	wrdreg s6  }
0x16: {  	s8 =	simm.s32 $0x6400;
	[dreg:$0x5] =	wrdreg s26;
	s6 =	simm.s32 $0xB  }
.LBB2_1:
0x17: {  	[tilespmem:s2], [sflag:$0xB] =	stream.linear.gather [hbm4b:s4+s2], $0x6400, $0x38;
	[tilespmem:$0x1A400] =	vst v63  }
0x18: {  	_ =	swait.ge [sflag:s6], $0x6400  }
0x19: {  	p0 =	por $0x1, $0x1;
	[sflag:s6] =	ssyncset.done $0x0  }
0x1a: {  	p0 =	por p0, p0;
	[sflag:s6] =	ssyncadd.s32 $0xFFFF9C00  }
0x1b: {  	[tilespmem:s8], [sflag:$0x1] =	stream.indirect.gather [hbm4b:s3+s7], $0x80, s2, s7, $0xb8;
	[tilespmem:$0x1A400] =	vst v63  }
0x1c: {  	s22 =	simm.s32 @!p0 $0x8  }
0x1d: {  	[tilespmem:s9], [sflag:$0x2] =	stream.indirect.gather [hbm4b:s3+s7], $0x80, s7, s7, $0xb8;
	[tilespmem:$0x1A400] =	vst v63  }
0x1e: {  	_ =	swait.ge @!p0 [sflag:s22], $0x4000  }
0x1f: {  	[sflag:s22] =	ssyncset.done @!p0 $0x0  }
0x20: {  	s23 =	simm.s32 $0x100;
	[sflag:s22] =	ssyncadd.s32 @!p0 $0xFFFFC000  }
0x21: {  	[tilespmem:s10], [sflag:$0x3] =	stream.indirect.gather [hbm4b:s3+s7], $0x80, s23, s7, $0xb8;
	[tilespmem:$0x1A400] =	vst v63  }
0x22: {  	_ =	swait.ge [sflag:s11], $0x4000  }
0x23: {  	s24 =	rddreg [dreg:$0x7];
	[sflag:s11] =	ssyncset.done $0x0  }
0x24: {  	s23 =	simm.s32 @!p0 $0x9;
	[sflag:s11] =	ssyncadd.s32 $0xFFFFC000;
	s22 =	sadd.s32 $0x0, s24  }
0x25: {  	[hbm4b:s22+s2] =	stream.linear.scatter [tilespmem:s8], [sflag:$0x6], $0x4000, $0x38;
	[tilespmem:$0x1A400] =	vst v63  }
0x26: {  	_ =	swait.ge @!p0 [sflag:s23], $0x4000  }
0x27: {  	[sflag:s23] =	ssyncset.done @!p0 $0x0  }
0x28: {  	s26 =	simm.s32 $0x180;
	s25 =	rddreg [dreg:$0x8];
	[sflag:s23] =	ssyncadd.s32 @!p0 $0xFFFFC000  }
0x29: {  	[tilespmem:s25], [sflag:$0x4] =	stream.indirect.gather [hbm4b:s3+s7], $0x80, s26, s7, $0xb8;
	[tilespmem:$0x1A400] =	vst v63  }
0x2a: {  	_ =	swait.ge [sflag:s12], $0x4000  }
0x2b: {  	s29 =	rddreg [dreg:$0x6];
	[sflag:s12] =	ssyncset.done $0x0  }
0x2c: {  	s23 =	simm.s32 @!p0 $0xA;
	[sflag:s12] =	ssyncadd.s32 $0xFFFFC000;
	s22 =	sadd.s32 $0x0, s29  }
0x2d: {  	[hbm4b:s22+s2] =	stream.linear.scatter [tilespmem:s9], [sflag:$0x7], $0x4000, $0x38;
	[tilespmem:$0x1A400] =	vst v63  }
0x2e: {  	_ =	swait.ge @!p0 [sflag:s23], $0x4000  }
0x2f: {  	[sflag:s23] =	ssyncset.done @!p0 $0x0  }
0x30: {  	s30 =	simm.s32 $0x200;
	[sflag:s23] =	ssyncadd.s32 @!p0 $0xFFFFC000  }
0x31: {  	[tilespmem:s13], [sflag:$0x5] =	stream.indirect.gather [hbm4b:s3+s7], $0x80, s30, s7, $0xb8;
	[tilespmem:$0x1A400] =	vst v63  }
0x32: {  	_ =	swait.ge [sflag:s14], $0x4000  }
0x33: {  	s31 =	rddreg [dreg:$0x5];
	[sflag:s14] =	ssyncset.done $0x0  }
0x34: {  	p0 =	por $0x0, $0x0;
	[sflag:s14] =	ssyncadd.s32 $0xFFFFC000;
	s22 =	sadd.s32 $0x0, s31  }
0x35: {  	[hbm4b:s22+s2] =	stream.linear.scatter [tilespmem:s10], [sflag:$0x8], $0x4000, $0x38;
	[tilespmem:$0x1A400] =	vst v63  }
0x36: {  	s22 =	simm.s32 @p0 $0x4  }
0x37: {  	_ =	swait.ge @p0 [sflag:s22], $0x4000  }
0x38: {  	s24 =	simm.s32 @p0 $0x12400;
	s25 =	simm.s32 @!p0 $0x6;
	[sflag:s22] =	ssyncset.done @p0 $0x0  }
0x39: {  	s23 =	rddreg [dreg:$0x2];
	[sflag:s22] =	ssyncadd.s32 @p0 $0xFFFFC000;
	s22 =	simm.s32 @p0 $0x0  }
0x3a: {  	[hbm4b:s23+s22] =	stream.linear.scatter @p0 [tilespmem:s24], [sflag:$0x9], $0x4000, $0x38;
	[tilespmem:$0x1A400] =	vst v63  }
0x3b: {  	_ =	swait.ge @!p0 [sflag:s25], $0x4000  }
0x3c: {  	s22 =	simm.s32 @!p0 $0x6400;
	s23 =	simm.s32 @!p0 $0x280;
	[sflag:s25] =	ssyncset.done @!p0 $0x0  }
0x3d: {  	s24 =	simm.s32 @!p0 $0x80;
	[sflag:s25] =	ssyncadd.s32 @!p0 $0xFFFFC000;
	s25 =	simm.s32 @!p0 $0x4  }
0x3e: {  	[tilespmem:s22], [sflag:$0x1] =	stream.indirect.gather @!p0 [hbm4b:s3+s24], $0x80, s23, s24, $0xb8;
	[tilespmem:$0x1A400] =	vst v63  }
0x3f: {  	s26 =	simm.s32 @!p0 $0x7;
	_ =	swait.ge @!p0 [sflag:s25], $0x4000  }
0x40: {  	s23 =	simm.s32 @!p0 $0x0;
	s22 =	rddreg [dreg:$0x4];
	[sflag:s25] =	ssyncset.done @!p0 $0x0  }
0x41: {  	[sflag:s25] =	ssyncadd.s32 @!p0 $0xFFFFC000;
	s25 =	simm.s32 @!p0 $0x12400;
	s22 =	sadd.s32 @!p0 $0x0, s22  }
0x42: {  	[hbm4b:s22+s23] =	stream.linear.scatter @!p0 [tilespmem:s25], [sflag:$0x9], $0x4000, $0x38;
	[tilespmem:$0x1A400] =	vst v63  }
0x43: {  	_ =	swait.ge @!p0 [sflag:s26], $0x4000  }
0x44: {  	p6 =	por $0x0, $0x0;
	s22 =	simm.s32 $0x300;
	[sflag:s26] =	ssyncset.done @!p0 $0x0  }
0x45: {  	s23 =	simm.s32 @!p0 $0xA400;
	s25 =	simm.s32 $0x0;
	[sflag:s26] =	ssyncadd.s32 @!p0 $0xFFFFC000  }
0x46: {  	[tilespmem:s23], [sflag:$0x2] =	stream.indirect.gather @!p0 [hbm4b:s3+s24], $0x80, s22, s24, $0xb8;
	[tilespmem:$0x1A400] =	vst v63  }
0x47: {  	s22 =	simm.s32 $0x2800;
	s24 =	simm.s32 $0x5000;
	_ =	swait.ge [sflag:s15], $0x4000  }
0x48: {  	p0 =	por p6, p6;
	s23 =	simm.s32 $0x580;
	[sflag:s15] =	ssyncset.done $0x0  }
0x49: {  	s26 =	simm.s32 @!p0 $0x8;
	s28 =	rddreg [dreg:$0x3];
	[sflag:s15] =	ssyncadd.s32 $0xFFFFC000  }
.LBB2_2:
0x4a: {  	s28 =	sadd.s32 s25, s28  }
0x4b: {  	[hbm4b:s28+s2] =	stream.linear.scatter [tilespmem:s13], [sflag:$0xA], $0x4000, $0x38;
	[tilespmem:$0x1A400] =	vst v63  }
0x4c: {  	_ =	swait.ge @!p0 [sflag:s26], $0x4000  }
0x4d: {  	[sflag:s26] =	ssyncset.done @!p0 $0x0  }
0x4e: {  	s29 =	sadd.s32 $0xFFFFFE00, s23;
	[sflag:s26] =	ssyncadd.s32 @!p0 $0xFFFFC000  }
0x4f: {  	[tilespmem:s10], [sflag:$0x3] =	stream.indirect.gather [hbm4b:s3+s7], $0x80, s29, s7, $0xb8;
	[tilespmem:$0x1A400] =	vst v63  }
0x50: {  	_ =	swait.ge [sflag:s11], $0x4000  }
0x51: {  	s25 =	smov.u32 s22;
	s30 =	rddreg [dreg:$0x7];
	[sflag:s11] =	ssyncset.done $0x0  }
0x52: {  	s28 =	simm.s32 @!p0 $0x9;
	[sflag:s11] =	ssyncadd.s32 $0xFFFFC000;
	s26 =	sadd.s32 s25, s30  }
0x53: {  	[hbm4b:s26+s2] =	stream.linear.scatter [tilespmem:s8], [sflag:$0x6], $0x4000, $0x38;
	[tilespmem:$0x1A400] =	vst v63  }
0x54: {  	_ =	swait.ge @!p0 [sflag:s28], $0x4000  }
0x55: {  	[sflag:s28] =	ssyncset.done @!p0 $0x0  }
0x56: {  	s31 =	rddreg [dreg:$0x8];
	[sflag:s28] =	ssyncadd.s32 @!p0 $0xFFFFC000;
	s28 =	sadd.s32 $0xFFFFFE80, s23  }
0x57: {  	[tilespmem:s31], [sflag:$0x4] =	stream.indirect.gather [hbm4b:s3+s7], $0x80, s28, s7, $0xb8;
	[tilespmem:$0x1A400] =	vst v63  }
0x58: {  	_ =	swait.ge [sflag:s12], $0x4000  }
0x59: {  	s29 =	rddreg [dreg:$0x6];
	[sflag:s12] =	ssyncset.done $0x0  }
0x5a: {  	s28 =	simm.s32 @!p0 $0xA;
	[sflag:s12] =	ssyncadd.s32 $0xFFFFC000;
	s26 =	sadd.s32 s25, s29  }
0x5b: {  	[hbm4b:s26+s2] =	stream.linear.scatter [tilespmem:s9], [sflag:$0x7], $0x4000, $0x38;
	[tilespmem:$0x1A400] =	vst v63  }
0x5c: {  	_ =	swait.ge @!p0 [sflag:s28], $0x4000  }
0x5d: {  	[sflag:s28] =	ssyncset.done @!p0 $0x0  }
0x5e: {  	s30 =	sadd.s32 $0xFFFFFF00, s23;
	[sflag:s28] =	ssyncadd.s32 @!p0 $0xFFFFC000  }
0x5f: {  	[tilespmem:s13], [sflag:$0x5] =	stream.indirect.gather [hbm4b:s3+s7], $0x80, s30, s7, $0xb8;
	[tilespmem:$0x1A400] =	vst v63  }
0x60: {  	p2 =	seq.s32 s24, $0x0;
	_ =	swait.ge [sflag:s14], $0x4000  }
0x61: {  	p0 =	por p2, p2;
	s31 =	rddreg [dreg:$0x5];
	[sflag:s14] =	ssyncset.done $0x0  }
0x62: {  	p2 =	seq.s32 s25, $0x61800;
	[sflag:s14] =	ssyncadd.s32 $0xFFFFC000;
	s26 =	sadd.s32 s25, s31  }
0x63: {  	[hbm4b:s26+s2] =	stream.linear.scatter [tilespmem:s10], [sflag:$0x8], $0x4000, $0x38;
	[tilespmem:$0x1A400] =	vst v63  }
0x64: {  	s26 =	simm.s32 @p2 $0x4  }
0x65: {  	_ =	swait.ge @p2 [sflag:s26], $0x4000  }
0x66: {  	s29 =	simm.s32 @p2 $0x12400;
	s30 =	simm.s32 @!p2 $0x6;
	[sflag:s26] =	ssyncset.done @p2 $0x0  }
0x67: {  	s28 =	rddreg [dreg:$0x2];
	[sflag:s26] =	ssyncadd.s32 @p2 $0xFFFFC000;
	s26 =	simm.s32 @p2 $0x0  }
0x68: {  	[hbm4b:s28+s26] =	stream.linear.scatter @p2 [tilespmem:s29], [sflag:$0x9], $0x4000, $0x38;
	[tilespmem:$0x1A400] =	vst v63  }
0x69: {  	_ =	swait.ge @!p2 [sflag:s30], $0x4000  }
0x6a: {  	s26 =	simm.s32 @!p2 $0x6400;
	s28 =	sadd.s32 @!p2 $0xFFFFFF80, s23;
	[sflag:s30] =	ssyncset.done @!p2 $0x0  }
0x6b: {  	s29 =	simm.s32 @!p2 $0x80;
	[sflag:s30] =	ssyncadd.s32 @!p2 $0xFFFFC000;
	s30 =	simm.s32 @!p2 $0x4  }
0x6c: {  	[tilespmem:s26], [sflag:$0x1] =	stream.indirect.gather @!p2 [hbm4b:s3+s29], $0x80, s28, s29, $0xb8;
	[tilespmem:$0x1A400] =	vst v63  }
0x6d: {  	s31 =	simm.s32 @!p2 $0x7;
	_ =	swait.ge @!p2 [sflag:s30], $0x4000  }
0x6e: {  	s28 =	simm.s32 @!p2 $0x0;
	[sflag:s30] =	ssyncset.done @!p2 $0x0;
	s26 =	rddreg [dreg:$0x4]  }
0x6f: {  	[sflag:s30] =	ssyncadd.s32 @!p2 $0xFFFFC000;
	s30 =	simm.s32 @!p2 $0x12400;
	s26 =	sadd.s32 @!p2 s25, s26  }
0x70: {  	[hbm4b:s26+s28] =	stream.linear.scatter @!p2 [tilespmem:s30], [sflag:$0x9], $0x4000, $0x38;
	[tilespmem:$0x1A400] =	vst v63  }
0x71: {  	s22 =	smov.u32 s24;
	s24 =	sadd.s32 $0x2800, s24;
	_ =	swait.ge @!p2 [sflag:s31], $0x4000  }
0x72: {  	p1 =	sne.s32 s24, $0x64000;
	[sflag:s31] =	ssyncset.done @!p2 $0x0  }
.Ltmp0:
0x73: {  	s26 =	simm.s32 @!p2 $0xA400;
	[sflag:s31] =	ssyncadd.s32 @!p2 $0xFFFFC000;
	(pc) =	sbr.rel @p1 .LBB2_2-.Ltmp0, $4  }
0x74: {  	[tilespmem:s26], [sflag:$0x2] =	stream.indirect.gather @!p2 [hbm4b:s3+s29], $0x80, s23, s29, $0xb8;
	[tilespmem:$0x1A400] =	vst v63  }
0x75: {  	_ =	swait.ge [sflag:s15], $0x4000  }
0x76: {  	s26 =	simm.s32 @!p0 $0x8;
	[sflag:s15] =	ssyncset.done $0x0  }
0x77: {  	s23 =	sadd.s32 $0x280, s23;
	s28 =	rddreg [dreg:$0x3];
	[sflag:s15] =	ssyncadd.s32 $0xFFFFC000  }
0x78: {  	s24 =	sadd.s32 s25, s28  }
0x79: {  	[hbm4b:s24+s2] =	stream.linear.scatter [tilespmem:s13], [sflag:$0xA], $0x4000, $0x38;
	[tilespmem:$0x1A400] =	vst v63  }
0x7a: {  	_ =	swait.ge @!p0 [sflag:s26], $0x4000  }
0x7b: {  	[sflag:s26] =	ssyncset.done @!p0 $0x0  }
0x7c: {  	s28 =	sadd.s32 $0xFFFFFE00, s23;
	[sflag:s26] =	ssyncadd.s32 @!p0 $0xFFFFC000  }
0x7d: {  	[tilespmem:s10], [sflag:$0x3] =	stream.indirect.gather [hbm4b:s3+s7], $0x80, s28, s7, $0xb8;
	[tilespmem:$0x1A400] =	vst v63  }
0x7e: {  	_ =	swait.ge [sflag:s11], $0x4000  }
0x7f: {  	s29 =	rddreg [dreg:$0x7];
	[sflag:s11] =	ssyncset.done $0x0  }
0x80: {  	s25 =	simm.s32 @!p0 $0x9;
	[sflag:s11] =	ssyncadd.s32 $0xFFFFC000;
	s24 =	sadd.s32 s22, s29  }
0x81: {  	[hbm4b:s24+s2] =	stream.linear.scatter [tilespmem:s8], [sflag:$0x6], $0x4000, $0x38;
	[tilespmem:$0x1A400] =	vst v63  }
0x82: {  	_ =	swait.ge @!p0 [sflag:s25], $0x4000  }
0x83: {  	[sflag:s25] =	ssyncset.done @!p0 $0x0  }
0x84: {  	s31 =	sadd.s32 $0xFFFFFE80, s23;
	s30 =	rddreg [dreg:$0x8];
	[sflag:s25] =	ssyncadd.s32 @!p0 $0xFFFFC000  }
0x85: {  	[tilespmem:s30], [sflag:$0x4] =	stream.indirect.gather [hbm4b:s3+s7], $0x80, s31, s7, $0xb8;
	[tilespmem:$0x1A400] =	vst v63  }
0x86: {  	_ =	swait.ge [sflag:s12], $0x4000  }
0x87: {  	s26 =	rddreg [dreg:$0x6];
	[sflag:s12] =	ssyncset.done $0x0  }
0x88: {  	s25 =	simm.s32 @!p0 $0xA;
	[sflag:s12] =	ssyncadd.s32 $0xFFFFC000;
	s24 =	sadd.s32 s22, s26  }
0x89: {  	[hbm4b:s24+s2] =	stream.linear.scatter [tilespmem:s9], [sflag:$0x7], $0x4000, $0x38;
	[tilespmem:$0x1A400] =	vst v63  }
0x8a: {  	_ =	swait.ge @!p0 [sflag:s25], $0x4000  }
0x8b: {  	[sflag:s25] =	ssyncset.done @!p0 $0x0  }
0x8c: {  	s28 =	sadd.s32 $0xFFFFFF00, s23;
	[sflag:s25] =	ssyncadd.s32 @!p0 $0xFFFFC000  }
0x8d: {  	[tilespmem:s13], [sflag:$0x5] =	stream.indirect.gather [hbm4b:s3+s7], $0x80, s28, s7, $0xb8;
	[tilespmem:$0x1A400] =	vst v63  }
0x8e: {  	_ =	swait.ge [sflag:s14], $0x4000  }
0x8f: {  	s29 =	rddreg [dreg:$0x5];
	[sflag:s14] =	ssyncset.done $0x0  }
0x90: {  	p0 =	seq.s32 s22, $0x61800;
	[sflag:s14] =	ssyncadd.s32 $0xFFFFC000;
	s24 =	sadd.s32 s22, s29  }
0x91: {  	[hbm4b:s24+s2] =	stream.linear.scatter [tilespmem:s10], [sflag:$0x8], $0x4000, $0x38;
	[tilespmem:$0x1A400] =	vst v63  }
0x92: {  	s24 =	simm.s32 @p0 $0x4  }
0x93: {  	_ =	swait.ge @p0 [sflag:s24], $0x4000  }
0x94: {  	s26 =	simm.s32 @p0 $0x12400;
	s28 =	simm.s32 @!p0 $0x6;
	[sflag:s24] =	ssyncset.done @p0 $0x0  }
0x95: {  	s25 =	rddreg [dreg:$0x2];
	[sflag:s24] =	ssyncadd.s32 @p0 $0xFFFFC000;
	s24 =	simm.s32 @p0 $0x0  }
0x96: {  	[hbm4b:s25+s24] =	stream.linear.scatter @p0 [tilespmem:s26], [sflag:$0x9], $0x4000, $0x38;
	[tilespmem:$0x1A400] =	vst v63  }
0x97: {  	_ =	swait.ge @!p0 [sflag:s28], $0x4000  }
0x98: {  	s24 =	simm.s32 @!p0 $0x6400;
	s25 =	sadd.s32 @!p0 $0xFFFFFF80, s23;
	[sflag:s28] =	ssyncset.done @!p0 $0x0  }
0x99: {  	s26 =	simm.s32 @!p0 $0x80;
	[sflag:s28] =	ssyncadd.s32 @!p0 $0xFFFFC000;
	s28 =	simm.s32 @!p0 $0x4  }
0x9a: {  	[tilespmem:s24], [sflag:$0x1] =	stream.indirect.gather @!p0 [hbm4b:s3+s26], $0x80, s25, s26, $0xb8;
	[tilespmem:$0x1A400] =	vst v63  }
0x9b: {  	s29 =	simm.s32 @!p0 $0x7;
	_ =	swait.ge @!p0 [sflag:s28], $0x4000  }
0x9c: {  	s25 =	simm.s32 @!p0 $0x0;
	s24 =	rddreg [dreg:$0x4];
	[sflag:s28] =	ssyncset.done @!p0 $0x0  }
0x9d: {  	[sflag:s28] =	ssyncadd.s32 @!p0 $0xFFFFC000;
	s28 =	simm.s32 @!p0 $0x12400;
	s24 =	sadd.s32 @!p0 s22, s24  }
0x9e: {  	[hbm4b:s24+s25] =	stream.linear.scatter @!p0 [tilespmem:s28], [sflag:$0x9], $0x4000, $0x38;
	[tilespmem:$0x1A400] =	vst v63  }
0x9f: {  	_ =	swait.ge @!p0 [sflag:s29], $0x4000  }
0xa0: {  	[sflag:s29] =	ssyncset.done @!p0 $0x0  }
0xa1: {  	s24 =	simm.s32 @!p0 $0xA400;
	[sflag:s29] =	ssyncadd.s32 @!p0 $0xFFFFC000  }
0xa2: {  	[tilespmem:s24], [sflag:$0x2] =	stream.indirect.gather @!p0 [hbm4b:s3+s26], $0x80, s23, s26, $0xb8;
	[tilespmem:$0x1A400] =	vst v63  }
0xa3: {  	_ =	swait.ge [sflag:s15], $0x4000  }
0xa4: {  	s30 =	rddreg [dreg:$0x3];
	[sflag:s15] =	ssyncset.done $0x0  }
0xa5: {  	[sflag:s15] =	ssyncadd.s32 $0xFFFFC000;
	s31 =	sadd.s32 s22, s30  }
0xa6: {  	[hbm4b:s31+s2] =	stream.linear.scatter [tilespmem:s13], [sflag:$0xA], $0x4000, $0x38;
	[tilespmem:$0x1A400] =	vst v63  }
0xa7: {  	_ =	swait.ge [sflag:s16], $0x4000  }
0xa8: {  	[sflag:s16] =	ssyncset.done $0x0  }
0xa9: {  	[sflag:s16] =	ssyncadd.s32 $0xFFFFC000  }
0xaa: {  	_ =	swait.ge [sflag:s17], $0x4000  }
0xab: {  	[sflag:s17] =	ssyncset.done $0x0  }
0xac: {  	[sflag:s17] =	ssyncadd.s32 $0xFFFFC000  }
0xad: {  	_ =	swait.ge [sflag:s18], $0x4000  }
0xae: {  	[sflag:s18] =	ssyncset.done $0x0  }
0xaf: {  	s21 =	sadd.s32 $0x1, s21;
	[sflag:s18] =	ssyncadd.s32 $0xFFFFC000  }
0xb0: {  	p0 =	sne.s32 s21, s5;
	_ =	swait.ge [sflag:s19], $0x4000  }
.Ltmp1:
0xb1: {  	[sflag:s19] =	ssyncset.done $0x0;
	(pc) =	sbr.rel @p0 .LBB2_1-.Ltmp1, $4  }
0xb2: {  	[sflag:s19] =	ssyncadd.s32 $0xFFFFC000  }
0xb3: {  	_ =	swait.ge [sflag:s20], $0x4000  }
0xb4: {  	[sflag:s20] =	ssyncset.done $0x0  }
0xb5: {  	[sflag:s20] =	ssyncadd.s32 $0xFFFFC000  }
0xb6: {  	_ =	sfence.sel $0x180000  }
0xb7: {  	[bflag:$0x0] =	sbarrier.arrive $0xFFFF  }
0xb8: {  	p0 =	sne.s32 s0, $0x0;
	_ =	strace $0x90000047  }
0xb9: {  	s0 =	sadd.s32 @!p0 $0x100000, s1;
	[bflag:$0x2] =	sbarrier.arrive $0xFFFF  }
0xba: {  	[sflag:s0] =	ssyncadd.tile.s32 @!p0 $0x1;
	_ =	shalt  }
.Lfunc_end2:
_tile_overlayer_lowered:
.L_overlay_start_2:
0xbb: {  	(tag) =	ssettag $0x2  }
0xbc: {  	s0 =	rddreg [dreg:$0x0];
	s2 =	stileid.u32  }
0xbd: {  	s1 =	rddreg [dreg:$0x1];
	p0 =	sne.s32 s2, $0x0  }
0xbe: {  	s3 =	rddreg [dreg:$0x2];
	[bflag:$0x3] =	sbarrier.arrive $0xFFFF;
	s2 =	simm.s32 @!p0 $0x1C0B  }
0xbf: {  	[timem:s3], [sflag:s2] =	dma.local @!p0 [hbm:s0], s1  }
0xc0: {  	s0 =	simm.s32 @!p0 $0xB  }
0xc1: {  	_ =	swait.ge @!p0 [sflag:s0], s1  }
0xc2: {  	s1 =	ssub.s32 @!p0 $0x0, s1;
	[sflag:s0] =	ssyncset.done @!p0 $0x0  }
0xc3: {  	[sflag:s0] =	ssyncadd.s32 @!p0 s1  }
0xc4: {  	[bflag:$0x3] =	sbarrier.arrive $0xFFFF  }
0xc5: {  	_ =	shalt  }

// kernel: sparse-core-data-format-call.cloned.1.call-start
scs
called_computation_lowered:
.L_overlay_start_0:
0x0: {  	s2 =	sld [smem:$0x3FD9]  }
0x1: {  	s3 =	sld [smem:$0x3FFE];
	_ =	sdelay $0x1  }
0x2: {  	s1 =	srdreg.scid  }
0x3: {  	s0 =	sand.u32 $0x1, s1  }
0x4: {  	s18 =	sshll.u32 s0, $0xA;
	s2 =	sadd.s32 s3, s2  }
0x5: {  	s2 =	sadd.s32 s2, s18  }
0x6: {  	[smem:$0x3FC6] =	sst s2  }
0x7: {  	_ = 	snop  }
0x8: {  	s2 =	sld [smem:$0x3FD0];
	(tm) =	ssettm $0x1  }
0x9: {  	s19 =	sld [smem:$0x3FFB];
	_ =	sdelay $0x3  }
0xa: {  	_ =	strace s19  }
0xb: {  	s3 =	sld [smem:$0x3FFC];
	_ =	sdelay $0x3  }
0xc: {  	_ =	strace s3  }
0xd: {  	s3 =	sld [smem:$0x3FFD];
	_ =	sdelay $0x3  }
0xe: {  	_ =	strace s3  }
0xf: {  	_ =	strace $0x8FFFFFFF  }
0x10: {  	s20 =	sld [smem:$0x3FDB];
	_ =	sdelay $0x1  }
0x11: {  	s4 =	simm.s32 $_scs_section_size  }
0x12: {  	s5 =	simm.s32 $_size__tile_overlayer_lowered;
	s6 =	simm.s32 $_tile_overlayer_lowered  }
0x13: {  	s23 =	simm.s32 $0x1BFF;
	s22 =	sshll.u32 s6, $0x1;
	s3 =	sadd.s32 s4, s20  }
0x14: {  	s7 =	simm.s32 $0x0;
	s21 =	sshll.u32 s5, $0x1;
	s5 =	sadd.s32 s22, s3  }
0x15: {  	[timem:s7], [sflag:s23] =	dma.local [hbm:s5], s21  }
0x16: {  	_ =	swait.ge [sflag:s23], s21  }
0x17: {  	s4 =	ssub.s32 $0x0, s21;
	[sflag:s23] =	ssyncset.done $0x0  }
0x18: {  	[sflag:s23] =	ssyncadd.s32 s4;
	_ =	sdelay $0x1  }
0x19: {  	s24 =	simm.s32 $0x1B8B  }
0x1a: {  	_ =	swait.ge [sflag:s24], $0x1  }
0x1b: {  	[sflag:s24] =	ssyncset.done $0x0  }
0x1c: {  	s26 =	simm.s32 $0x1B8E;
	s25 =	sld [smem:$0x3FFE];
	[sflag:s24] =	ssyncadd.s32 $0xFFFFFFFF  }
0x1d: {  	s27 =	simm.s32 $execute0_lowered;
	[smem:$0x3FD2] =	sst s26  }
0x1e: {  	s5 =	sshll.u32 s27, $0x1;
	_ =	strace $0x80000049;
	[dreg:$0x1] =	wrdreg $0xFFFFFFFF  }
0x1f: {  	s28 =	simm.s32 $_size_execute0_lowered;
	s3 =	sadd.s32 s3, s5;
	[dreg:$0x0] =	wrdreg $0x0  }
0x20: {  	s5 =	sshll.u32 s28, $0x1;
	[dreg:$0x2] =	wrdreg s3  }
0x21: {  	[dreg:$0x3] =	wrdreg s5  }
0x22: {  	[dreg:$0x4] =	wrdreg $0xC0  }
0x23: {  	_ =	task [dreg:s7], $0x5FFFF  }
0x24: {  	[dreg:$0x1] =	wrdreg $0xFFFFFFFF  }
0x25: {  	[dreg:$0x0] =	wrdreg $0x60  }
0x26: {  	[dreg:$0x2] =	wrdreg s25  }
0x27: {  	[dreg:$0x3] =	wrdreg s2  }
0x28: {  	[dreg:$0x4] =	wrdreg $0x9  }
0x29: {  	_ =	task.clear_ibuf [dreg:s7], $0x5FFFF;
	_ =	strace $0x90000049  }
0x2a: {  	s29 =	simm.s32 $0x9;
	_ =	strace $0x8000004B  }
0x2b: {  	_ =	swait.ge [sflag:s29], $0x1  }
0x2c: {  	[sflag:s29] =	ssyncadd.s32 $0xFFFFFFFF  }
0x2d: {  	_ =	strace $0x9000004B  }
0x2e: {  	_ =	sfence  }
0x2f: {  	s30 =	sld [smem:$0x0];
	_ =	sdelay $0x2  }
0x30: {  	s31 =	sshll.u32 s1, $0xD;
	s1 =	sshrl.u32 s1, $0x2  }
0x31: {  	s3 =	sand.u32 $0x4000, s31;
	s1 =	sadd.s32 s1, s30  }
0x32: {  	s0 =	sor.u32 s3, s0;
	s1 =	sshll.u32 s1, $0x11  }
0x33: {  	s0 =	sor.u32 s1, s0  }
0x34: {  	s0 =	sadd.s32 $0x8F2B, s0  }
0x35: {  	[sflag:s0] =	ssyncadd.remote.s32 $0x1  }
0x36: {  	_ =	sfence.sel $0xFFFF  }
0x37: {  	[dreg:$0x0] =	wrdreg $0xFFFFFFFF;
	(pc) =	sbr.abs _section_cstart, $3  }
0x38: {  	[dreg:$0x1] =	wrdreg $0xFFFFFFFF  }
0x39: {  	_ =	task.clear_ibuf [dreg:s7], $0x2FFFF;
	_ =	strace $0x9FFFFFFF  }
0x3a: {  	(tm) =	ssettm $0x7FFFFFFF  }
0x3b: {  	_ =	shalt  }
tec
execute0_lowered:
.L_overlay_start_1:
0x0: {  	(tag) =	ssettag $0x1  }
0x1: {  	s0 =	srdreg.scid  }
0x2: {  	s1 =	sshll.u32 s0, $0x4  }
0x3: {  	s6 =	rddreg [dreg:$0x0];
	s0 =	stileid.u32;
	s1 =	sand.u32 $0x10, s1  }
0x4: {  	s3 =	rddreg [dreg:$0x1];
	s1 =	sor.u32 s0, s1  }
0x5: {  	s5 =	simm.s32 $0x1;
	s31 =	simm.s32 $0x2;
	s2 =	sshll.u32 s1, $0x7  }
0x6: {  	s15 =	simm.s32 $0x0;
	s8 =	simm.s32 $0xC8000;
	s4 =	ssub.s32 $0x1000, s2  }
0x7: {  	s14 =	simm.s32 $0x0;
	s9 =	simm.s32 $0x0;
	s30 =	sand.u32 $0xF80, s4  }
0x8: {  	s10 =	simm.s32 $0x0;
	s11 =	simm.s32 $0x0;
	p0 =	sne.s32 s30, $0x0  }
.Ltmp0:
0x9: {  	s7 =	sshrl.u32 s4, $0xC;
	s5 =	simm.s32 @!p0 $0x0;
	(pc) =	sbr.rel .LBB1_1-.Ltmp0, $4  }
0xa: {  	s13 =	simm.s32 $0x0;
	s1 =	rddreg [dreg:$0x2];
	s5 =	sadd.s32 s5, s7  }
0xb: {  	_ =	strace $0x8000004A;
	s4 =	simm.s32 $0x1;
	s5 =	smul.u32 $0xC8, s5  }
0xc: {  	s6 =	sadd.s32 $0x634200, s6;
	s12 =	smov.u32 s2;
	[sflag:s4] =	ssyncpa.u1 $0x0  }
0xd: {  	[sflag:s31] =	ssyncpa.u1 $0x0;
	p0 =	por $0x0, $0x0;
	s7 =	sor.u32 $0x1, s5  }
.LBB1_4:
0xe: {  	s20 =	sshra.s32 s20, $0x2;
	s27 =	sshll.u32 s9, $0xC  }
0xf: {  	s21 =	sand.u32 $0x78, s10;
	s22 =	sshll.u32 s10, $0x3;
	s24 =	sshll.u32 s9, $0x7  }
0x10: {  	p1 =	sgt.s32 s9, $0xC7;
	s30 =	sshra.s32 s9, $0x1F;
	s25 =	sshra.s32 s10, $0x1F  }
0x11: {  	s19 =	sadd.s32 s20, s19;
	s20 =	sand.u32 $0xFFFF8000, s27;
	s23 =	sand.u32 $0xFFFFFC00, s22  }
0x12: {  	v5 =	vld [tilespmem:s17+$0xFFFFFFD0];
	[tilespmem:s18+$0x2040 ss:$0x81] =	vst.msk $0xffff, v4;
	s22 =	sand.u32 $0xC00, s22;
	s28 =	sand.u32 $0x380, s24;
	s31 =	sand.u32 s30, s9  }
0x13: {  	v58 =	vld [tilespmem:s17+$0xFFFFFFE0];
	[tilespmem:s18+$0x2850 ss:$0x81] =	vst.msk $0xffff, v3;
	s24 =	smov.u32 s10;
	s25 =	sand.u32 s25, s10;
	s20 =	sadd.s32 s23, s20  }
0x14: {  	v59 =	vld [tilespmem:s17+$0xFFFFFFF0];
	[tilespmem:s18+$0x3060 ss:$0x81] =	vst.msk $0xffff, v2;
	s21 =	sor.u32 s21, s22;
	s22 =	smov.u32 s9;
	s20 =	sshrl.u32 s20, $0xC  }
0x15: {  	v60 =	vld [tilespmem:s17+$0x0];
	[tilespmem:s18+$0x0 ss:$0x81] =	vst.msk $0xffff, v1;
	s22 =	simm.s32 @!p1 $0xC7;
	p1 =	sgt.s32 s10, $0xF80;
	s29 =	smulhi.u32 $0x147AE15, s20  }
0x16: {  	v61 =	vld [tilespmem:s17+$0x10];
	[tilespmem:s19+$0x3870 ss:$0x81] =	vst.msk $0xffff, v0;
	s21 =	sor.u32 s28, s21;
	s18 =	ssub.s32 s22, s31;
	s24 =	simm.s32 @!p1 $0xF80  }
0x17: {  	v62 =	vld [tilespmem:s17+$0x20];
	[tilespmem:s19+$0x810 ss:$0x81] =	vst.msk $0xffff, v5;
	s22 =	ssub.s32 s24, s25;
	s26 =	ssub.s32 $0xC8, s18;
	s23 =	smul.u32 $0xC8, s29  }
0x18: {  	v63 =	vld [tilespmem:s17+$0xFFFFFFC0];
	[tilespmem:s19+$0x1020 ss:$0x81] =	vst.msk $0xffff, v58;
	s27 =	sadd.s32 $0xFFFFFF39, s18;
	s18 =	smul.u32 $0x64, s26;
	s28 =	sadd.s32 $0xFFFFF080, s22  }
0x19: {  	[tilespmem:s19+$0x1830 ss:$0x81] =	vst.msk $0xffff, v59;
	p1 =	sgt.s32 s27, $0x0;
	s17 =	ssub.s32 $0x1000, s22;
	p2 =	sgt.s32 s28, $0x7F  }
0x1a: {  	s30 =	sand.u32 $0x7, s10;
	[tilespmem:s19+$0x2040 ss:$0x81] =	vst.msk $0xffff, v60;
	s18 =	simm.s32 @p1 $0x0;
	s17 =	simm.s32 @p2 $0x0  }
0x1b: {  	[tilespmem:s19+$0x2850 ss:$0x81] =	vst.msk $0xffff, v61;
	s29 =	sshrl.u32 s21, $0x3;
	s20 =	ssub.s32 s20, s23;
	s17 =	smul.u32 s17, s18  }
0x1c: {  	[tilespmem:s19+$0x3060 ss:$0x81] =	vst.msk $0xffff, v62;
	s21 =	sshll.u32 s30, $0x12;
	s20 =	sshll.u32 s20, $0x9;
	s18 =	sadd.s32 s3, s29  }
0x1d: {  	[tilespmem:s19+$0x0 ss:$0x81] =	vst.msk $0xffff, v63;
	s31 =	sor.u32 $0x80, s21;
	s18 =	sadd.s32 s20, s18;
	s17 =	sand.u32 $0x3FFFFFFC, s17  }
0x1e: {  	[hbm4b:s18+s31] =	stream.strided.scatter [tilespmem:s16], [sflag:$0x2], s17, s8, s31, $0x20;
	[tilespmem:$0x10100] =	vst v63  }
.LBB1_5:
0x1f: {  	p1 =	slt.u32 s13, $0x2  }
0x20: {  	s17 =	smov.u32 s15;
	p2 =	sgt.s32 @!p1 s15, $0xC7;
	s16 =	sshra.s32 @!p1 s15, $0x1F  }
0x21: {  	p3 =	sgt.s32 @!p1 s14, $0xF80;
	s18 =	sshra.s32 @!p1 s14, $0x1F;
	p2 =	por !p2, p1  }
0x22: {  	s15 =	sand.u32 @!p1 s16, s15;
	p3 =	por !p3, p1;
	s16 =	smov.u32 s14  }
0x23: {  	s14 =	sand.u32 @!p1 s18, s14;
	s17 =	simm.s32 @p2 $0xC7;
	s16 =	simm.s32 @p3 $0xF80  }
0x24: {  	s18 =	smov.u32 s12;
	s15 =	ssub.s32 @!p1 s17, s15;
	s14 =	ssub.s32 @!p1 s16, s14  }
0x25: {  	s16 =	sadd.s32 @!p1 $0xFFFFFF39, s15;
	s15 =	ssub.s32 @!p1 $0xC8, s15;
	s17 =	sadd.s32 @!p1 $0xFFFFF080, s14  }
0x26: {  	p2 =	sgt.s32 @!p1 s16, $0x0;
	s15 =	smul.u32 @!p1 $0x64, s15;
	p3 =	sgt.s32 @!p1 s17, $0x7F  }
0x27: {  	s14 =	ssub.s32 @!p1 $0x1000, s14;
	p2 =	por !p2, p1;
	p3 =	por !p3, p1  }
0x28: {  	s16 =	sadd.s32 $0x1, s11;
	s15 =	simm.s32 @!p2 $0x0;
	s14 =	simm.s32 @!p3 $0x0  }
0x29: {  	p2 =	sgt.s32 s16, $0xC7;
	s14 =	smul.u32 @!p1 s14, s15;
	s15 =	sadd.s32 $0x1000, s12  }
0x2a: {  	s18 =	smov.u32 @p2 s15  }
0x2b: {  	s16 =	simm.s32 @p2 $0x0;
	p2 =	sgt.s32 s18, $0xFFF  }
0x2c: {  	s18 =	smov.u32 @p2 s2;
	p2 =	sne.s32 s13, s7  }
.Ltmp1:
0x2d: {  	p0 =	por !p0, !p0;
	s17 =	simm.s32 @!p1 $0x2;
	(pc) =	sbr.rel @!p2 .LBB1_6-.Ltmp1, $4  }
0x2e: {  	s15 =	smov.u32 s9;
	s9 =	smov.u32 s11;
	s14 =	sand.u32 @!p1 $0x3FFFFFFC, s14  }
0x2f: {  	s11 =	smov.u32 s16;
	_ =	swait.ge @!p1 [sflag:s17], s14;
	s19 =	ssub.s32 @!p1 $0x0, s14  }
0x30: {  	s14 =	smov.u32 s10;
	s13 =	sadd.s32 $0x1, s13;
	[sflag:s17] =	ssyncset.done @!p1 $0x0  }
0x31: {  	s10 =	smov.u32 s12;
	s12 =	smov.u32 s18;
	[sflag:s17] =	ssyncadd.s32 @!p1 s19  }
.LBB1_1:
0x32: {  	p1 =	sge.u32 s13, s5  }
0x33: {  	s16 =	sand.u32 @!p1 $0x1FFFFFF, s11  }
0x34: {  	s17 =	smulhi.u32 @!p1 $0x147AE15, s16;
	_ =	sdelay $0x1  }
0x35: {  	s17 =	smul.u32 @!p1 $0xC8, s17  }
0x36: {  	s18 =	sxor.u32 @!p1 $0xFFFFFFFF, s13;
	s19 =	smul.u32 @!p1 $0xC80, s12  }
0x37: {  	s31 =	sadd.s32 $0xFFFFFFFF, s13;
	s18 =	sshll.u32 @!p1 s18, $0xE;
	s16 =	ssub.s32 @!p1 s16, s17  }
0x38: {  	s17 =	sand.u32 @!p1 $0x4000, s18;
	s18 =	sadd.s32 @!p1 s6, s19;
	s16 =	sshll.u32 @!p1 s16, $0x4  }
0x39: {  	s19 =	simm.s32 @!p1 $0x6400;
	s16 =	sadd.s32 @!p1 s16, s18;
	s18 =	simm.s32 @!p1 $0x80  }
0x3a: {  	[tilespmem:s17], [sflag:$0x1] =	stream.strided.gather @!p1 [hbm4b:s16+s18], $0x4000, s19, s18, $0x38;
	[tilespmem:$0x10100] =	vst v63  }
0x3b: {  	p1 =	sge.u32 s31, s5  }
.Ltmp2:
0x3c: {  	_ = 	snop;
	(pc) =	sbr.rel @p1 .LBB1_5-.Ltmp2, $1  }
0x3d: {  	_ =	sdelay $0x3  }
0x3e: {  	s16 =	simm.s32 $0x1  }
0x3f: {  	_ =	swait.ge [sflag:s4], $0x4000;
	s16 =	simm.s32 @!p0 $0x0  }
0x40: {  	[sflag:s4] =	ssyncset.done $0x0;
	s17 =	sshll.u32 s16, $0xE  }
0x41: {  	[sflag:s4] =	ssyncadd.s32 $0xFFFFC000;
	s17 =	sor.u32 $0x40, s17  }
0x42: {  	s16 =	smul.u32 $0x10200, s16;
	v0 =	vld [tilespmem:s17+$0x30]  }
0x43: {  	v1 =	vld [tilespmem:s17+$0xFFFFFFD0]  }
0x44: {  	s16 =	sshrl.u32 s16, $0x2;
	v5 =	vld [tilespmem:s17+$0xFFFFFFE0]  }
0x45: {  	v6 =	vld [tilespmem:s17+$0xFFFFFFF0];
	s19 =	sor.u32 $0x8000, s16  }
0x46: {  	s31 =	sand.u32 $0x1, s13;
	v4 =	vld [tilespmem:s17+$0x0];
	s18 =	sadd.s32 $0x0, s19  }
0x47: {  	v3 =	vld [tilespmem:s17+$0x10];
	s16 =	smul.u32 $0x10200, s31;
	[tilespmem:s18+$0x3870 ss:$0x81] =	vst.msk $0xffff, v0  }
0x48: {  	v2 =	vld [tilespmem:s17+$0x20];
	[tilespmem:s18+$0x810 ss:$0x81] =	vst.msk $0xffff, v1  }
0x49: {  	s16 =	sshrl.u32 s16, $0x2;
	v1 =	vld [tilespmem:s17+$0xFFFFFFC0];
	[tilespmem:s18+$0x1020 ss:$0x81] =	vst.msk $0xffff, v5;
	s17 =	sadd.s32 $0x80, s17  }
0x4a: {  	s20 =	simm.s32 $0x4;
	s21 =	simm.s32 $0x8;
	s16 =	sor.u32 $0x8000, s16;
	[tilespmem:s18+$0x1830 ss:$0x81] =	vst.msk $0xffff, v6;
	v0 =	vld [tilespmem:s17+$0x30]  }
.LBB1_3:
0x4b: {  	p1 =	sne.s32 s21, $0x1FC;
	v5 =	vld [tilespmem:s17+$0xFFFFFFD0];
	[tilespmem:s18+$0x2040 ss:$0x81] =	vst.msk $0xffff, v4  }
0x4c: {  	v6 =	vld [tilespmem:s17+$0xFFFFFFE0];
	[tilespmem:s18+$0x2850 ss:$0x81] =	vst.msk $0xffff, v3  }
0x4d: {  	s22 =	sshra.s32 s20, $0x2;
	s20 =	smov.u32 s21;
	v7 =	vld [tilespmem:s17+$0xFFFFFFF0];
	[tilespmem:s18+$0x3060 ss:$0x81] =	vst.msk $0xffff, v2  }
.Ltmp3:
0x4e: {  	v4 =	vld [tilespmem:s17+$0x0];
	[tilespmem:s18+$0x0 ss:$0x81] =	vst.msk $0xffff, v1;
	s18 =	sadd.s32 s22, s19;
	(pc) =	sbr.rel @p1 .LBB1_3-.Ltmp3, $4  }
0x4f: {  	v3 =	vld [tilespmem:s17+$0x10];
	[tilespmem:s18+$0x3870 ss:$0x81] =	vst.msk $0xffff, v0  }
0x50: {  	[tilespmem:s18+$0x810 ss:$0x81] =	vst.msk $0xffff, v5;
	v2 =	vld [tilespmem:s17+$0x20]  }
0x51: {  	v1 =	vld [tilespmem:s17+$0xFFFFFFC0];
	[tilespmem:s18+$0x1020 ss:$0x81] =	vst.msk $0xffff, v6;
	s17 =	sadd.s32 $0x80, s17  }
0x52: {  	s21 =	sadd.s32 $0x4, s21;
	v0 =	vld [tilespmem:s17+$0x30];
	[tilespmem:s18+$0x1830 ss:$0x81] =	vst.msk $0xffff, v7  }
.Ltmp4:
0x53: {  	_ = 	snop;
	(pc) =	sbr.rel .LBB1_4-.Ltmp4, $1  }
0x54: {  	_ =	sdelay $0x3  }
.LBB1_6:
0x55: {  	_ =	sfence.sel $0x180000  }
0x56: {  	s2 =	simm.s32 $0x1;
	[bflag:$0x0] =	sbarrier.arrive $0xFFFF  }
0x57: {  	s31 =	simm.s32 $0x2;
	[sflag:s2] =	ssyncpa.u1 $0x1  }
0x58: {  	[sflag:s31] =	ssyncpa.u1 $0x1  }
0x59: {  	p0 =	sne.s32 s0, $0x0;
	_ =	strace $0x9000004A  }
0x5a: {  	s0 =	sadd.s32 @!p0 $0x100000, s1;
	[bflag:$0x2] =	sbarrier.arrive $0xFFFF  }
0x5b: {  	[sflag:s0] =	ssyncadd.tile.s32 @!p0 $0x1;
	_ =	shalt  }
.Lfunc_end1:
_tile_overlayer_lowered:
.L_overlay_start_2:
0x5c: {  	(tag) =	ssettag $0x2  }
0x5d: {  	s0 =	rddreg [dreg:$0x0];
	s2 =	stileid.u32  }
0x5e: {  	s1 =	rddreg [dreg:$0x1];
	p0 =	sne.s32 s2, $0x0  }
0x5f: {  	s3 =	rddreg [dreg:$0x2];
	[bflag:$0x3] =	sbarrier.arrive $0xFFFF;
	s2 =	simm.s32 @!p0 $0x1C01  }
0x60: {  	[timem:s3], [sflag:s2] =	dma.local @!p0 [hbm:s0], s1  }
0x61: {  	s0 =	simm.s32 @!p0 $0x1  }
0x62: {  	_ =	swait.ge @!p0 [sflag:s0], s1  }
0x63: {  	s1 =	ssub.s32 @!p0 $0x0, s1;
	[sflag:s0] =	ssyncset.done @!p0 $0x0  }
0x64: {  	[sflag:s0] =	ssyncadd.s32 @!p0 s1  }
0x65: {  	[bflag:$0x3] =	sbarrier.arrive $0xFFFF  }
0x66: {  	_ =	shalt  }

</sc_bundles>
